<compile_context>
chip_gen: v7x
topology: tpu7x:2x2x1
jax: 0.10.2.dev20260603
libtpu: 0.0.44.dev20260713+nightly
codegen_flags: <defaults>
</compile_context>

<pallas_src>
import functools

import jax
import jax.numpy as jnp
from jax import lax
from jax.experimental import pallas as pl
from jax.experimental.pallas import tpu as pltpu
from jax.experimental.pallas import tpu_sc as plsc

N = 10000
N_PAD = 10240
D = 128
DH = D // 2
E = 320000
NC = 2
NS = 16
C = 80
EPT = E // NS
NCHUNK = EPT // C
NB = 1
CPB = NCHUNK // NB
RPT = N_PAD // NS
ZR = 64
DEGW = 16
NBUF = 5

_MESH = plsc.VectorSubcoreMesh(
    core_axis_name="c", subcore_axis_name="s", num_cores=NC, num_subcores=NS)


def _sc_body(with_deg, *refs):
    if with_deg:
        (xr_hbm, src_hbm, dst_hbm, agg_out, deg_out,
         src_b, dst_b, rows_v, zero_v, gsem,
         ones_v, degz_v, acc_sh, deg_sh) = refs
    else:
        (xr_hbm, src_hbm, dst_hbm, agg_out,
         src_b, dst_b, rows_v, zero_v, gsem, acc_sh) = refs

    cid = lax.axis_index("c")
    sid = lax.axis_index("s")
    r0 = sid * RPT

    @pl.loop(0, ZR)
    def _(r):
        for cc in range(DH // 16):
            zero_v[r, pl.ds(cc * 16, 16)] = jnp.zeros((16,), jnp.float32)
        if with_deg:
            degz_v[r, :] = jnp.zeros((16,), jnp.float32)

    if with_deg:
        @pl.loop(0, C)
        def _(r):
            ones_v[r, :] = jnp.ones((16,), jnp.float32)

    for k in range(RPT // ZR):
        pltpu.sync_copy(zero_v, acc_sh.at[pl.ds(r0 + k * ZR, ZR)])
        if with_deg:
            pltpu.sync_copy(degz_v, deg_sh.at[pl.ds(r0 + k * ZR, ZR)])

    plsc.subcore_barrier()

    @pl.loop(0, NB)
    def _(b):
        pltpu.sync_copy(src_hbm.at[sid, b], src_b)
        pltpu.sync_copy(dst_hbm.at[sid, b], dst_b)

        @pl.loop(0, CPB * C // 16)
        def _(i):
            r = i // (C // 16)
            cc = i % (C // 16)
            v = src_b[r, pl.ds(cc * 16, 16)]
            src_b[r, pl.ds(cc * 16, 16)] = v * 2 + cid

        @pl.loop(0, NBUF)
        def _(k):
            pltpu.async_copy(xr_hbm.at[src_b.at[k]],
                             rows_v.at[pl.ds(k * C, C)], gsem.at[k])

        @pl.loop(0, CPB)
        def _(c):
            bi = c % NBUF
            rows_slice = rows_v.at[pl.ds(bi * C, C)]
            pltpu.make_async_copy(xr_hbm.at[src_b.at[c]], rows_slice,
                                  gsem.at[bi]).wait()
            pltpu.sync_copy(rows_slice, acc_sh.at[dst_b.at[c]], add=True)
            if with_deg:
                g = b * CPB + c
                do_deg = (g < NCHUNK // 2) == (cid == 0)

                @pl.when(do_deg)
                def _():
                    pltpu.sync_copy(ones_v, deg_sh.at[dst_b.at[c]], add=True)
            jn = c + NBUF

            @pl.when(jn < CPB)
            def _():
                pltpu.async_copy(xr_hbm.at[src_b.at[jn]], rows_slice,
                                 gsem.at[bi])

    plsc.subcore_barrier()

    pltpu.sync_copy(acc_sh.at[pl.ds(r0, RPT)], agg_out.at[cid, pl.ds(r0, RPT)])
    if with_deg:
        pltpu.sync_copy(deg_sh.at[pl.ds(r0, RPT)],
                        deg_out.at[cid, pl.ds(r0, RPT)])


_sc_scratch = [
    pltpu.VMEM((CPB, C), jnp.int32),
    pltpu.VMEM((CPB, C), jnp.int32),
    pltpu.VMEM((NBUF * C, DH), jnp.float32),
    pltpu.VMEM((ZR, DH), jnp.float32),
    pltpu.SemaphoreType.DMA((NBUF,)),
]


def _make_sc(with_deg, interpret=False):
    if with_deg:
        out_type = [
            jax.ShapeDtypeStruct((NC, N_PAD, DH), jnp.float32),
            jax.ShapeDtypeStruct((NC, N_PAD, DEGW), jnp.float32),
        ]
        scratch = _sc_scratch + [
            pltpu.VMEM((C, DEGW), jnp.float32),
            pltpu.VMEM((ZR, DEGW), jnp.float32),
            pltpu.VMEM_SHARED((N_PAD, DH), jnp.float32),
            pltpu.VMEM_SHARED((N_PAD, DEGW), jnp.float32),
        ]
    else:
        out_type = jax.ShapeDtypeStruct((NC, N_PAD, DH), jnp.float32)
        scratch = _sc_scratch + [
            pltpu.VMEM_SHARED((N_PAD, DH), jnp.float32),
        ]
    return pl.kernel(
        functools.partial(_sc_body, with_deg),
        out_type=out_type,
        mesh=_MESH,
        compiler_params=pltpu.CompilerParams(use_tc_tiling_on_sc=False),
        scratch_types=scratch,
        interpret=interpret,
    )


_sc_agg_deg = _make_sc(True)
_sc_agg = _make_sc(False)

_TC_R = 400


def _tc_self_body(h_ref, wst_ref, bs_ref, bn_ref, out_ref):
    acc = jnp.dot(h_ref[...], wst_ref[...], preferred_element_type=jnp.float32)
    out_ref[...] = acc + bs_ref[...] + bn_ref[...]


def _tc_self(h, wst, bs, bn):
    return pl.pallas_call(
        _tc_self_body,
        grid=(N // _TC_R,),
        in_specs=[
            pl.BlockSpec((_TC_R, D), lambda i: (i, 0)),
            pl.BlockSpec((D, D), lambda i: (0, 0)),
            pl.BlockSpec((1, D), lambda i: (0, 0)),
            pl.BlockSpec((1, D), lambda i: (0, 0)),
        ],
        out_specs=pl.BlockSpec((_TC_R, D), lambda i: (i, 0)),
        out_shape=jax.ShapeDtypeStruct((N, D), jnp.float32),
    )(h, wst, bs, bn)


def _tc_combine_body(s_ref, p_ref, d_ref, wnt_ref, out_ref):
    d0 = d_ref[0]
    d1 = d_ref[1]
    deg = d0[:, :1] + d1[:, :1]
    inv = 1.0 / jnp.maximum(deg, 1.0)
    neigh = jnp.concatenate([p_ref[0], p_ref[1]], axis=1) * inv
    acc = s_ref[...] + jnp.dot(neigh, wnt_ref[...],
                               preferred_element_type=jnp.float32)
    out_ref[...] = jnp.maximum(acc, 0.0)


def _tc_combine(s, p, d, wnt):
    return pl.pallas_call(
        _tc_combine_body,
        grid=(N // _TC_R,),
        in_specs=[
            pl.BlockSpec((_TC_R, D), lambda i: (i, 0)),
            pl.BlockSpec((NC, _TC_R, DH), lambda i: (0, i, 0)),
            pl.BlockSpec((NC, _TC_R, DEGW), lambda i: (0, i, 0)),
            pl.BlockSpec((D, D), lambda i: (0, 0)),
        ],
        out_specs=pl.BlockSpec((_TC_R, D), lambda i: (i, 0)),
        out_shape=jax.ShapeDtypeStruct((N, D), jnp.float32),
    )(s, p, d, wnt)


def kernel(in_feat, edge_index, W_self1, b_self1, W_neigh1, b_neigh1,
           W_self2, b_self2, W_neigh2, b_neigh2):
    ei = edge_index.astype(jnp.int32)
    src4 = ei[0].reshape(NS, NB, CPB, C)
    dst4 = ei[1].reshape(NS, NB, CPB, C)

    xr1 = in_feat.reshape(2 * N, DH)
    agg_p, deg_p = _sc_agg_deg(xr1, src4, dst4)
    s1 = _tc_self(in_feat, W_self1.T, b_self1[None, :], b_neigh1[None, :])
    h1 = _tc_combine(s1, agg_p, deg_p, W_neigh1.T)

    xr2 = h1.reshape(2 * N, DH)
    agg2_p = _sc_agg(xr2, src4, dst4)
    s2 = _tc_self(h1, W_self2.T, b_self2[None, :], b_neigh2[None, :])
    h2 = _tc_combine(s2, agg2_p, deg_p, W_neigh2.T)
    return h2

# --- scband reference (transcript-rebuilt; emitter-appended) ---
"""Pipeline reference for scband-graph-sage-71562745086292 (READ-ONLY COPY).

The authoritative reference and input builder live on the scoring server;
editing this copy changes nothing except your own understanding.
"""

import jax, jax.numpy as jnp
import numpy as np

N_NODES = 10000
N_EDGES = 320000
D = 128

def setup_inputs(seed: int = 0) -> dict:
    key = jax.random.key(seed)
    ks = jax.random.split(key, 12)
    x = jax.random.normal(ks[0], (N_NODES, D), dtype=jnp.float32)
    edge_index = jax.random.randint(ks[1], (2, N_EDGES), 0, N_NODES, dtype=jnp.int64)
    scale = 1.0 / np.sqrt(D)
    W_self1 = jax.random.normal(ks[2], (D, D), dtype=jnp.float32) * scale
    b_self1 = jnp.zeros((D,), dtype=jnp.float32)
    W_neigh1 = jax.random.normal(ks[3], (D, D), dtype=jnp.float32) * scale
    b_neigh1 = jnp.zeros((D,), dtype=jnp.float32)
    W_self2 = jax.random.normal(ks[4], (D, D), dtype=jnp.float32) * scale
    b_self2 = jnp.zeros((D,), dtype=jnp.float32)
    W_neigh2 = jax.random.normal(ks[5], (D, D), dtype=jnp.float32) * scale
    b_neigh2 = jnp.zeros((D,), dtype=jnp.float32)
    return {"in_feat": x, "edge_index": edge_index,
            "W_self1": W_self1, "b_self1": b_self1, "W_neigh1": W_neigh1, "b_neigh1": b_neigh1,
            "W_self2": W_self2, "b_self2": b_self2, "W_neigh2": W_neigh2, "b_neigh2": b_neigh2}

def _sage_layer(h, src, dst, W_self, b_self, W_neigh, b_neigh):
    # DGL SAGEConv with 'mean' aggregator: rst = fc_self(h) + fc_neigh(mean_neigh(h))
    msg = jnp.take(h, src, axis=0)                              # gather over edges
    agg = jax.ops.segment_sum(msg, dst, num_segments=N_NODES)   # scatter-add by dst
    deg = jax.ops.segment_sum(jnp.ones((src.shape[0],), dtype=h.dtype), dst, num_segments=N_NODES)
    h_neigh = agg / jnp.clip(deg, 1.0, None)[:, None]
    return (h @ W_self.T + b_self) + (h_neigh @ W_neigh.T + b_neigh)

def reference(in_feat, edge_index, W_self1, b_self1, W_neigh1, b_neigh1,
              W_self2, b_self2, W_neigh2, b_neigh2):
    src = edge_index[0]
    dst = edge_index[1]
    h = in_feat
    h = jax.nn.relu(_sage_layer(h, src, dst, W_self1, b_self1, W_neigh1, b_neigh1))
    h = jax.nn.relu(_sage_layer(h, src, dst, W_self2, b_self2, W_neigh2, b_neigh2))
    return h

if __name__ == "__main__":
    import jax
    _d = setup_inputs()
    print(jax.jit(kernel)(*tuple(_d.values())))

</pallas_src>

<mosaic_0001>
#map = affine_map<(d0, d1) -> (0, 0)>
#map1 = affine_map<(d0, d1) -> (0, 0, 0, 0)>
#map2 = affine_map<(d0, d1) -> (0, 0, 0)>
module attributes {stable_mosaic.version = 14 : i64} {
  func.func @_sc_body(%arg0: i32, %arg1: i32, %arg2: memref<20000x64xf32, #tpu.memory_space<hbm>>, %arg3: memref<16x1x250x80xi32, #tpu.memory_space<hbm>>, %arg4: memref<16x1x250x80xi32, #tpu.memory_space<hbm>>, %arg5: memref<2x10240x64xf32, #tpu.memory_space<hbm>>, %arg6: memref<250x80xi32, #tpu.memory_space<vmem>>, %arg7: memref<250x80xi32, #tpu.memory_space<vmem>>, %arg8: memref<400x64xf32, #tpu.memory_space<vmem>>, %arg9: memref<64x64xf32, #tpu.memory_space<vmem>>, %arg10: memref<5x!tpu.dma_semaphore, #tpu.memory_space<semaphore_mem>>, %arg11: memref<10240x64xf32, #tpu.memory_space<vmem_shared>>) attributes {dimension_semantics = [#tpu.dimension_semantics<core_parallel>, #tpu.dimension_semantics<subcore_parallel>], iteration_bounds = array<i64: 2, 16>, scalar_prefetch = 0 : i64, scratch_operands = 6 : i64, tpu.core_type = #tpu.core_type<sc_vector_subcore>, window_params = [{transform_indices = #map}, {transform_indices = #map1}, {transform_indices = #map1}, {transform_indices = #map2}]} {
    %mul3A = arith.constant 640 : i32
    %mul3A_0 = arith.muli %arg1, %mul3A : i32
    %scan3A = arith.constant 0 : i32
    %scan3A_1 = arith.constant 64 : i32
    %scan3A_2 = arith.addi %scan3A, %scan3A_1 : i32
    %scan3A_3 = arith.constant 1 : i32
    scf.for %scan3A_46 = %scan3A to %scan3A_2 step %scan3A_3  : i32 {
      %mul3A_47 = arith.constant 1 : i32
      %mul3A_48 = arith.muli %scan3A_46, %mul3A_47 : i32
      %add3A_49 = arith.constant 0 : i32
      %add3A_50 = arith.addi %add3A_49, %mul3A_48 : i32
      %broadcast_in_dim3A = arith.constant 0.000000e+00 : f32
      %broadcast_in_dim3A_51 = vector.broadcast %broadcast_in_dim3A : f32 to vector<16xf32>
      %swap3A = arith.index_cast %add3A_50 : i32 to index
      %swap3A_52 = arith.constant 0 : index
      %swap3A_53 = tpu.vector_load %arg9[%swap3A, %swap3A_52] {strides = array<i32>} : memref<64x64xf32, #tpu.memory_space<vmem>>, vector<1x16xf32>,
      %swap3A_54 = vector.shape_cast %swap3A_53 : vector<1x16xf32> to vector<16xf32>
      %swap3A_55 = vector.shape_cast %broadcast_in_dim3A_51 : vector<16xf32> to vector<1x16xf32>
      tpu.vector_store %arg9[%swap3A, %swap3A_52], %swap3A_55 {strides = array<i32>} : memref<64x64xf32, #tpu.memory_space<vmem>>, vector<1x16xf32>,
      %broadcast_in_dim3A_56 = arith.constant 0.000000e+00 : f32
      %broadcast_in_dim3A_57 = vector.broadcast %broadcast_in_dim3A_56 : f32 to vector<16xf32>
      %swap3A_58 = arith.index_cast %add3A_50 : i32 to index
      %swap3A_59 = arith.constant 16 : index
      %swap3A_60 = tpu.vector_load %arg9[%swap3A_58, %swap3A_59] {strides = array<i32>} : memref<64x64xf32, #tpu.memory_space<vmem>>, vector<1x16xf32>,
      %swap3A_61 = vector.shape_cast %swap3A_60 : vector<1x16xf32> to vector<16xf32>
      %swap3A_62 = vector.shape_cast %broadcast_in_dim3A_57 : vector<16xf32> to vector<1x16xf32>
      tpu.vector_store %arg9[%swap3A_58, %swap3A_59], %swap3A_62 {strides = array<i32>} : memref<64x64xf32, #tpu.memory_space<vmem>>, vector<1x16xf32>,
      %broadcast_in_dim3A_63 = arith.constant 0.000000e+00 : f32
      %broadcast_in_dim3A_64 = vector.broadcast %broadcast_in_dim3A_63 : f32 to vector<16xf32>
      %swap3A_65 = arith.index_cast %add3A_50 : i32 to index
      %swap3A_66 = arith.constant 32 : index
      %swap3A_67 = tpu.vector_load %arg9[%swap3A_65, %swap3A_66] {strides = array<i32>} : memref<64x64xf32, #tpu.memory_space<vmem>>, vector<1x16xf32>,
      %swap3A_68 = vector.shape_cast %swap3A_67 : vector<1x16xf32> to vector<16xf32>
      %swap3A_69 = vector.shape_cast %broadcast_in_dim3A_64 : vector<16xf32> to vector<1x16xf32>
      tpu.vector_store %arg9[%swap3A_65, %swap3A_66], %swap3A_69 {strides = array<i32>} : memref<64x64xf32, #tpu.memory_space<vmem>>, vector<1x16xf32>,
      %broadcast_in_dim3A_70 = arith.constant 0.000000e+00 : f32
      %broadcast_in_dim3A_71 = vector.broadcast %broadcast_in_dim3A_70 : f32 to vector<16xf32>
      %swap3A_72 = arith.index_cast %add3A_50 : i32 to index
      %swap3A_73 = arith.constant 48 : index
      %swap3A_74 = tpu.vector_load %arg9[%swap3A_72, %swap3A_73] {strides = array<i32>} : memref<64x64xf32, #tpu.memory_space<vmem>>, vector<1x16xf32>,
      %swap3A_75 = vector.shape_cast %swap3A_74 : vector<1x16xf32> to vector<16xf32>
      %swap3A_76 = vector.shape_cast %broadcast_in_dim3A_71 : vector<16xf32> to vector<1x16xf32>
      tpu.vector_store %arg9[%swap3A_72, %swap3A_73], %swap3A_76 {strides = array<i32>} : memref<64x64xf32, #tpu.memory_space<vmem>>, vector<1x16xf32>,
    }
    %scan3A_4 = arith.constant 64 : i32
    %add3A = arith.constant 0 : i32
    %add3A_5 = arith.addi %mul3A_0, %add3A : i32
    "tpu.region"() ({
      %run_scoped3A = tpu.sem_alloc : memref<!tpu.dma_semaphore, #tpu.memory_space<semaphore_mem>>
      %dma_start3A = arith.constant 0 : i32
      %dma_start3A_46 = tpu.memref_slice %arg11[%add3A_5, %dma_start3A] : memref<10240x64xf32, #tpu.memory_space<vmem_shared>> -> memref<64x64xf32, #tpu.memory_space<vmem_shared>>
      %dma_start3A_47 = arith.constant 0 : i32
      %dma_start3A_48 = tpu.memref_slice %arg11[%add3A_5, %dma_start3A_47] : memref<10240x64xf32, #tpu.memory_space<vmem_shared>> -> memref<64x64xf32, #tpu.memory_space<vmem_shared>>
      tpu.enqueue_dma source(%arg9 : memref<64x64xf32, #tpu.memory_space<vmem>>) target(%dma_start3A_48 : memref<64x64xf32, #tpu.memory_space<vmem_shared>>) target_semaphore(%run_scoped3A : memref<!tpu.dma_semaphore, #tpu.memory_space<semaphore_mem>>)
      %dma_wait3A = arith.constant 0 : i32
      %dma_wait3A_49 = tpu.memref_slice %arg11[%add3A_5, %dma_wait3A] : memref<10240x64xf32, #tpu.memory_space<vmem_shared>> -> memref<64x64xf32, #tpu.memory_space<vmem_shared>>
      %dma_wait3A_50 = arith.constant 0 : i32
      %dma_wait3A_51 = tpu.memref_slice %arg11[%add3A_5, %dma_wait3A_50] : memref<10240x64xf32, #tpu.memory_space<vmem_shared>> -> memref<64x64xf32, #tpu.memory_space<vmem_shared>>
      tpu.wait_dma2 semaphore(%run_scoped3A : memref<!tpu.dma_semaphore, #tpu.memory_space<semaphore_mem>>) src(%arg9 : memref<64x64xf32, #tpu.memory_space<vmem>>) dst(%dma_wait3A_51 : memref<64x64xf32, #tpu.memory_space<vmem_shared>>)
      tpu.yield
    }) : () -> ()
    %add3A_6 = arith.constant 64 : i32
    %add3A_7 = arith.addi %mul3A_0, %add3A_6 : i32
    "tpu.region"() ({
      %run_scoped3A = tpu.sem_alloc : memref<!tpu.dma_semaphore, #tpu.memory_space<semaphore_mem>>
      %dma_start3A = arith.constant 0 : i32
      %dma_start3A_46 = tpu.memref_slice %arg11[%add3A_7, %dma_start3A] : memref<10240x64xf32, #tpu.memory_space<vmem_shared>> -> memref<64x64xf32, #tpu.memory_space<vmem_shared>>
      %dma_start3A_47 = arith.constant 0 : i32
      %dma_start3A_48 = tpu.memref_slice %arg11[%add3A_7, %dma_start3A_47] : memref<10240x64xf32, #tpu.memory_space<vmem_shared>> -> memref<64x64xf32, #tpu.memory_space<vmem_shared>>
      tpu.enqueue_dma source(%arg9 : memref<64x64xf32, #tpu.memory_space<vmem>>) target(%dma_start3A_48 : memref<64x64xf32, #tpu.memory_space<vmem_shared>>) target_semaphore(%run_scoped3A : memref<!tpu.dma_semaphore, #tpu.memory_space<semaphore_mem>>)
      %dma_wait3A = arith.constant 0 : i32
      %dma_wait3A_49 = tpu.memref_slice %arg11[%add3A_7, %dma_wait3A] : memref<10240x64xf32, #tpu.memory_space<vmem_shared>> -> memref<64x64xf32, #tpu.memory_space<vmem_shared>>
      %dma_wait3A_50 = arith.constant 0 : i32
      %dma_wait3A_51 = tpu.memref_slice %arg11[%add3A_7, %dma_wait3A_50] : memref<10240x64xf32, #tpu.memory_space<vmem_shared>> -> memref<64x64xf32, #tpu.memory_space<vmem_shared>>
      tpu.wait_dma2 semaphore(%run_scoped3A : memref<!tpu.dma_semaphore, #tpu.memory_space<semaphore_mem>>) src(%arg9 : memref<64x64xf32, #tpu.memory_space<vmem>>) dst(%dma_wait3A_51 : memref<64x64xf32, #tpu.memory_space<vmem_shared>>)
      tpu.yield
    }) : () -> ()
    %add3A_8 = arith.constant 128 : i32
    %add3A_9 = arith.addi %mul3A_0, %add3A_8 : i32
    "tpu.region"() ({
      %run_scoped3A = tpu.sem_alloc : memref<!tpu.dma_semaphore, #tpu.memory_space<semaphore_mem>>
      %dma_start3A = arith.constant 0 : i32
      %dma_start3A_46 = tpu.memref_slice %arg11[%add3A_9, %dma_start3A] : memref<10240x64xf32, #tpu.memory_space<vmem_shared>> -> memref<64x64xf32, #tpu.memory_space<vmem_shared>>
      %dma_start3A_47 = arith.constant 0 : i32
      %dma_start3A_48 = tpu.memref_slice %arg11[%add3A_9, %dma_start3A_47] : memref<10240x64xf32, #tpu.memory_space<vmem_shared>> -> memref<64x64xf32, #tpu.memory_space<vmem_shared>>
      tpu.enqueue_dma source(%arg9 : memref<64x64xf32, #tpu.memory_space<vmem>>) target(%dma_start3A_48 : memref<64x64xf32, #tpu.memory_space<vmem_shared>>) target_semaphore(%run_scoped3A : memref<!tpu.dma_semaphore, #tpu.memory_space<semaphore_mem>>)
      %dma_wait3A = arith.constant 0 : i32
      %dma_wait3A_49 = tpu.memref_slice %arg11[%add3A_9, %dma_wait3A] : memref<10240x64xf32, #tpu.memory_space<vmem_shared>> -> memref<64x64xf32, #tpu.memory_space<vmem_shared>>
      %dma_wait3A_50 = arith.constant 0 : i32
      %dma_wait3A_51 = tpu.memref_slice %arg11[%add3A_9, %dma_wait3A_50] : memref<10240x64xf32, #tpu.memory_space<vmem_shared>> -> memref<64x64xf32, #tpu.memory_space<vmem_shared>>
      tpu.wait_dma2 semaphore(%run_scoped3A : memref<!tpu.dma_semaphore, #tpu.memory_space<semaphore_mem>>) src(%arg9 : memref<64x64xf32, #tpu.memory_space<vmem>>) dst(%dma_wait3A_51 : memref<64x64xf32, #tpu.memory_space<vmem_shared>>)
      tpu.yield
    }) : () -> ()
    %add3A_10 = arith.constant 192 : i32
    %add3A_11 = arith.addi %mul3A_0, %add3A_10 : i32
    "tpu.region"() ({
      %run_scoped3A = tpu.sem_alloc : memref<!tpu.dma_semaphore, #tpu.memory_space<semaphore_mem>>
      %dma_start3A = arith.constant 0 : i32
      %dma_start3A_46 = tpu.memref_slice %arg11[%add3A_11, %dma_start3A] : memref<10240x64xf32, #tpu.memory_space<vmem_shared>> -> memref<64x64xf32, #tpu.memory_space<vmem_shared>>
      %dma_start3A_47 = arith.constant 0 : i32
      %dma_start3A_48 = tpu.memref_slice %arg11[%add3A_11, %dma_start3A_47] : memref<10240x64xf32, #tpu.memory_space<vmem_shared>> -> memref<64x64xf32, #tpu.memory_space<vmem_shared>>
      tpu.enqueue_dma source(%arg9 : memref<64x64xf32, #tpu.memory_space<vmem>>) target(%dma_start3A_48 : memref<64x64xf32, #tpu.memory_space<vmem_shared>>) target_semaphore(%run_scoped3A : memref<!tpu.dma_semaphore, #tpu.memory_space<semaphore_mem>>)
      %dma_wait3A = arith.constant 0 : i32
      %dma_wait3A_49 = tpu.memref_slice %arg11[%add3A_11, %dma_wait3A] : memref<10240x64xf32, #tpu.memory_space<vmem_shared>> -> memref<64x64xf32, #tpu.memory_space<vmem_shared>>
      %dma_wait3A_50 = arith.constant 0 : i32
      %dma_wait3A_51 = tpu.memref_slice %arg11[%add3A_11, %dma_wait3A_50] : memref<10240x64xf32, #tpu.memory_space<vmem_shared>> -> memref<64x64xf32, #tpu.memory_space<vmem_shared>>
      tpu.wait_dma2 semaphore(%run_scoped3A : memref<!tpu.dma_semaphore, #tpu.memory_space<semaphore_mem>>) src(%arg9 : memref<64x64xf32, #tpu.memory_space<vmem>>) dst(%dma_wait3A_51 : memref<64x64xf32, #tpu.memory_space<vmem_shared>>)
      tpu.yield
    }) : () -> ()
    %add3A_12 = arith.constant 256 : i32
    %add3A_13 = arith.addi %mul3A_0, %add3A_12 : i32
    "tpu.region"() ({
      %run_scoped3A = tpu.sem_alloc : memref<!tpu.dma_semaphore, #tpu.memory_space<semaphore_mem>>
      %dma_start3A = arith.constant 0 : i32
      %dma_start3A_46 = tpu.memref_slice %arg11[%add3A_13, %dma_start3A] : memref<10240x64xf32, #tpu.memory_space<vmem_shared>> -> memref<64x64xf32, #tpu.memory_space<vmem_shared>>
      %dma_start3A_47 = arith.constant 0 : i32
      %dma_start3A_48 = tpu.memref_slice %arg11[%add3A_13, %dma_start3A_47] : memref<10240x64xf32, #tpu.memory_space<vmem_shared>> -> memref<64x64xf32, #tpu.memory_space<vmem_shared>>
      tpu.enqueue_dma source(%arg9 : memref<64x64xf32, #tpu.memory_space<vmem>>) target(%dma_start3A_48 : memref<64x64xf32, #tpu.memory_space<vmem_shared>>) target_semaphore(%run_scoped3A : memref<!tpu.dma_semaphore, #tpu.memory_space<semaphore_mem>>)
      %dma_wait3A = arith.constant 0 : i32
      %dma_wait3A_49 = tpu.memref_slice %arg11[%add3A_13, %dma_wait3A] : memref<10240x64xf32, #tpu.memory_space<vmem_shared>> -> memref<64x64xf32, #tpu.memory_space<vmem_shared>>
      %dma_wait3A_50 = arith.constant 0 : i32
      %dma_wait3A_51 = tpu.memref_slice %arg11[%add3A_13, %dma_wait3A_50] : memref<10240x64xf32, #tpu.memory_space<vmem_shared>> -> memref<64x64xf32, #tpu.memory_space<vmem_shared>>
      tpu.wait_dma2 semaphore(%run_scoped3A : memref<!tpu.dma_semaphore, #tpu.memory_space<semaphore_mem>>) src(%arg9 : memref<64x64xf32, #tpu.memory_space<vmem>>) dst(%dma_wait3A_51 : memref<64x64xf32, #tpu.memory_space<vmem_shared>>)
      tpu.yield
    }) : () -> ()
    %add3A_14 = arith.constant 320 : i32
    %add3A_15 = arith.addi %mul3A_0, %add3A_14 : i32
    "tpu.region"() ({
      %run_scoped3A = tpu.sem_alloc : memref<!tpu.dma_semaphore, #tpu.memory_space<semaphore_mem>>
      %dma_start3A = arith.constant 0 : i32
      %dma_start3A_46 = tpu.memref_slice %arg11[%add3A_15, %dma_start3A] : memref<10240x64xf32, #tpu.memory_space<vmem_shared>> -> memref<64x64xf32, #tpu.memory_space<vmem_shared>>
      %dma_start3A_47 = arith.constant 0 : i32
      %dma_start3A_48 = tpu.memref_slice %arg11[%add3A_15, %dma_start3A_47] : memref<10240x64xf32, #tpu.memory_space<vmem_shared>> -> memref<64x64xf32, #tpu.memory_space<vmem_shared>>
      tpu.enqueue_dma source(%arg9 : memref<64x64xf32, #tpu.memory_space<vmem>>) target(%dma_start3A_48 : memref<64x64xf32, #tpu.memory_space<vmem_shared>>) target_semaphore(%run_scoped3A : memref<!tpu.dma_semaphore, #tpu.memory_space<semaphore_mem>>)
      %dma_wait3A = arith.constant 0 : i32
      %dma_wait3A_49 = tpu.memref_slice %arg11[%add3A_15, %dma_wait3A] : memref<10240x64xf32, #tpu.memory_space<vmem_shared>> -> memref<64x64xf32, #tpu.memory_space<vmem_shared>>
      %dma_wait3A_50 = arith.constant 0 : i32
      %dma_wait3A_51 = tpu.memref_slice %arg11[%add3A_15, %dma_wait3A_50] : memref<10240x64xf32, #tpu.memory_space<vmem_shared>> -> memref<64x64xf32, #tpu.memory_space<vmem_shared>>
      tpu.wait_dma2 semaphore(%run_scoped3A : memref<!tpu.dma_semaphore, #tpu.memory_space<semaphore_mem>>) src(%arg9 : memref<64x64xf32, #tpu.memory_space<vmem>>) dst(%dma_wait3A_51 : memref<64x64xf32, #tpu.memory_space<vmem_shared>>)
      tpu.yield
    }) : () -> ()
    %add3A_16 = arith.constant 384 : i32
    %add3A_17 = arith.addi %mul3A_0, %add3A_16 : i32
    "tpu.region"() ({
      %run_scoped3A = tpu.sem_alloc : memref<!tpu.dma_semaphore, #tpu.memory_space<semaphore_mem>>
      %dma_start3A = arith.constant 0 : i32
      %dma_start3A_46 = tpu.memref_slice %arg11[%add3A_17, %dma_start3A] : memref<10240x64xf32, #tpu.memory_space<vmem_shared>> -> memref<64x64xf32, #tpu.memory_space<vmem_shared>>
      %dma_start3A_47 = arith.constant 0 : i32
      %dma_start3A_48 = tpu.memref_slice %arg11[%add3A_17, %dma_start3A_47] : memref<10240x64xf32, #tpu.memory_space<vmem_shared>> -> memref<64x64xf32, #tpu.memory_space<vmem_shared>>
      tpu.enqueue_dma source(%arg9 : memref<64x64xf32, #tpu.memory_space<vmem>>) target(%dma_start3A_48 : memref<64x64xf32, #tpu.memory_space<vmem_shared>>) target_semaphore(%run_scoped3A : memref<!tpu.dma_semaphore, #tpu.memory_space<semaphore_mem>>)
      %dma_wait3A = arith.constant 0 : i32
      %dma_wait3A_49 = tpu.memref_slice %arg11[%add3A_17, %dma_wait3A] : memref<10240x64xf32, #tpu.memory_space<vmem_shared>> -> memref<64x64xf32, #tpu.memory_space<vmem_shared>>
      %dma_wait3A_50 = arith.constant 0 : i32
      %dma_wait3A_51 = tpu.memref_slice %arg11[%add3A_17, %dma_wait3A_50] : memref<10240x64xf32, #tpu.memory_space<vmem_shared>> -> memref<64x64xf32, #tpu.memory_space<vmem_shared>>
      tpu.wait_dma2 semaphore(%run_scoped3A : memref<!tpu.dma_semaphore, #tpu.memory_space<semaphore_mem>>) src(%arg9 : memref<64x64xf32, #tpu.memory_space<vmem>>) dst(%dma_wait3A_51 : memref<64x64xf32, #tpu.memory_space<vmem_shared>>)
      tpu.yield
    }) : () -> ()
    %add3A_18 = arith.constant 448 : i32
    %add3A_19 = arith.addi %mul3A_0, %add3A_18 : i32
    "tpu.region"() ({
      %run_scoped3A = tpu.sem_alloc : memref<!tpu.dma_semaphore, #tpu.memory_space<semaphore_mem>>
      %dma_start3A = arith.constant 0 : i32
      %dma_start3A_46 = tpu.memref_slice %arg11[%add3A_19, %dma_start3A] : memref<10240x64xf32, #tpu.memory_space<vmem_shared>> -> memref<64x64xf32, #tpu.memory_space<vmem_shared>>
      %dma_start3A_47 = arith.constant 0 : i32
      %dma_start3A_48 = tpu.memref_slice %arg11[%add3A_19, %dma_start3A_47] : memref<10240x64xf32, #tpu.memory_space<vmem_shared>> -> memref<64x64xf32, #tpu.memory_space<vmem_shared>>
      tpu.enqueue_dma source(%arg9 : memref<64x64xf32, #tpu.memory_space<vmem>>) target(%dma_start3A_48 : memref<64x64xf32, #tpu.memory_space<vmem_shared>>) target_semaphore(%run_scoped3A : memref<!tpu.dma_semaphore, #tpu.memory_space<semaphore_mem>>)
      %dma_wait3A = arith.constant 0 : i32
      %dma_wait3A_49 = tpu.memref_slice %arg11[%add3A_19, %dma_wait3A] : memref<10240x64xf32, #tpu.memory_space<vmem_shared>> -> memref<64x64xf32, #tpu.memory_space<vmem_shared>>
      %dma_wait3A_50 = arith.constant 0 : i32
      %dma_wait3A_51 = tpu.memref_slice %arg11[%add3A_19, %dma_wait3A_50] : memref<10240x64xf32, #tpu.memory_space<vmem_shared>> -> memref<64x64xf32, #tpu.memory_space<vmem_shared>>
      tpu.wait_dma2 semaphore(%run_scoped3A : memref<!tpu.dma_semaphore, #tpu.memory_space<semaphore_mem>>) src(%arg9 : memref<64x64xf32, #tpu.memory_space<vmem>>) dst(%dma_wait3A_51 : memref<64x64xf32, #tpu.memory_space<vmem_shared>>)
      tpu.yield
    }) : () -> ()
    %add3A_20 = arith.constant 512 : i32
    %add3A_21 = arith.addi %mul3A_0, %add3A_20 : i32
    "tpu.region"() ({
      %run_scoped3A = tpu.sem_alloc : memref<!tpu.dma_semaphore, #tpu.memory_space<semaphore_mem>>
      %dma_start3A = arith.constant 0 : i32
      %dma_start3A_46 = tpu.memref_slice %arg11[%add3A_21, %dma_start3A] : memref<10240x64xf32, #tpu.memory_space<vmem_shared>> -> memref<64x64xf32, #tpu.memory_space<vmem_shared>>
      %dma_start3A_47 = arith.constant 0 : i32
      %dma_start3A_48 = tpu.memref_slice %arg11[%add3A_21, %dma_start3A_47] : memref<10240x64xf32, #tpu.memory_space<vmem_shared>> -> memref<64x64xf32, #tpu.memory_space<vmem_shared>>
      tpu.enqueue_dma source(%arg9 : memref<64x64xf32, #tpu.memory_space<vmem>>) target(%dma_start3A_48 : memref<64x64xf32, #tpu.memory_space<vmem_shared>>) target_semaphore(%run_scoped3A : memref<!tpu.dma_semaphore, #tpu.memory_space<semaphore_mem>>)
      %dma_wait3A = arith.constant 0 : i32
      %dma_wait3A_49 = tpu.memref_slice %arg11[%add3A_21, %dma_wait3A] : memref<10240x64xf32, #tpu.memory_space<vmem_shared>> -> memref<64x64xf32, #tpu.memory_space<vmem_shared>>
      %dma_wait3A_50 = arith.constant 0 : i32
      %dma_wait3A_51 = tpu.memref_slice %arg11[%add3A_21, %dma_wait3A_50] : memref<10240x64xf32, #tpu.memory_space<vmem_shared>> -> memref<64x64xf32, #tpu.memory_space<vmem_shared>>
      tpu.wait_dma2 semaphore(%run_scoped3A : memref<!tpu.dma_semaphore, #tpu.memory_space<semaphore_mem>>) src(%arg9 : memref<64x64xf32, #tpu.memory_space<vmem>>) dst(%dma_wait3A_51 : memref<64x64xf32, #tpu.memory_space<vmem_shared>>)
      tpu.yield
    }) : () -> ()
    %add3A_22 = arith.constant 576 : i32
    %add3A_23 = arith.addi %mul3A_0, %add3A_22 : i32
    "tpu.region"() ({
      %run_scoped3A = tpu.sem_alloc : memref<!tpu.dma_semaphore, #tpu.memory_space<semaphore_mem>>
      %dma_start3A = arith.constant 0 : i32
      %dma_start3A_46 = tpu.memref_slice %arg11[%add3A_23, %dma_start3A] : memref<10240x64xf32, #tpu.memory_space<vmem_shared>> -> memref<64x64xf32, #tpu.memory_space<vmem_shared>>
      %dma_start3A_47 = arith.constant 0 : i32
      %dma_start3A_48 = tpu.memref_slice %arg11[%add3A_23, %dma_start3A_47] : memref<10240x64xf32, #tpu.memory_space<vmem_shared>> -> memref<64x64xf32, #tpu.memory_space<vmem_shared>>
      tpu.enqueue_dma source(%arg9 : memref<64x64xf32, #tpu.memory_space<vmem>>) target(%dma_start3A_48 : memref<64x64xf32, #tpu.memory_space<vmem_shared>>) target_semaphore(%run_scoped3A : memref<!tpu.dma_semaphore, #tpu.memory_space<semaphore_mem>>)
      %dma_wait3A = arith.constant 0 : i32
      %dma_wait3A_49 = tpu.memref_slice %arg11[%add3A_23, %dma_wait3A] : memref<10240x64xf32, #tpu.memory_space<vmem_shared>> -> memref<64x64xf32, #tpu.memory_space<vmem_shared>>
      %dma_wait3A_50 = arith.constant 0 : i32
      %dma_wait3A_51 = tpu.memref_slice %arg11[%add3A_23, %dma_wait3A_50] : memref<10240x64xf32, #tpu.memory_space<vmem_shared>> -> memref<64x64xf32, #tpu.memory_space<vmem_shared>>
      tpu.wait_dma2 semaphore(%run_scoped3A : memref<!tpu.dma_semaphore, #tpu.memory_space<semaphore_mem>>) src(%arg9 : memref<64x64xf32, #tpu.memory_space<vmem>>) dst(%dma_wait3A_51 : memref<64x64xf32, #tpu.memory_space<vmem_shared>>)
      tpu.yield
    }) : () -> ()
    %barrier3A = arith.constant 0 : index
    tpu.barrier barrier_id(%barrier3A)
    %scan3A_24 = arith.constant 0 : i32
    %mul3A_25 = arith.constant 1 : i32
    %mul3A_26 = arith.muli %scan3A_24, %mul3A_25 : i32
    %add3A_27 = arith.constant 0 : i32
    %add3A_28 = arith.addi %add3A_27, %mul3A_26 : i32
    "tpu.region"() ({
      %run_scoped3A = tpu.sem_alloc : memref<!tpu.dma_semaphore, #tpu.memory_space<semaphore_mem>>
      %dma_start3A = arith.constant 0 : i32
      %dma_start3A_46 = arith.constant 0 : i32
      %dma_start3A_47 = tpu.memref_slice %arg3[%arg1, %add3A_28, %dma_start3A, %dma_start3A_46] : memref<16x1x250x80xi32, #tpu.memory_space<hbm>> -> memref<1x1x250x80xi32, #tpu.memory_space<hbm>>
      %dma_start3A_48 = tpu.memref_squeeze %dma_start3A_47 : memref<1x1x250x80xi32, #tpu.memory_space<hbm>> -> memref<250x80xi32, #tpu.memory_space<hbm>>
      %dma_start3A_49 = arith.constant 0 : i32
      %dma_start3A_50 = arith.constant 0 : i32
      %dma_start3A_51 = tpu.memref_slice %arg3[%arg1, %add3A_28, %dma_start3A_49, %dma_start3A_50] : memref<16x1x250x80xi32, #tpu.memory_space<hbm>> -> memref<1x1x250x80xi32, #tpu.memory_space<hbm>>
      %dma_start3A_52 = tpu.memref_squeeze %dma_start3A_51 : memref<1x1x250x80xi32, #tpu.memory_space<hbm>> -> memref<250x80xi32, #tpu.memory_space<hbm>>
      tpu.enqueue_dma source(%dma_start3A_52 : memref<250x80xi32, #tpu.memory_space<hbm>>) target(%arg6 : memref<250x80xi32, #tpu.memory_space<vmem>>) target_semaphore(%run_scoped3A : memref<!tpu.dma_semaphore, #tpu.memory_space<semaphore_mem>>)
      %dma_wait3A = arith.constant 0 : i32
      %dma_wait3A_53 = arith.constant 0 : i32
      %dma_wait3A_54 = tpu.memref_slice %arg3[%arg1, %add3A_28, %dma_wait3A, %dma_wait3A_53] : memref<16x1x250x80xi32, #tpu.memory_space<hbm>> -> memref<1x1x250x80xi32, #tpu.memory_space<hbm>>
      %dma_wait3A_55 = tpu.memref_squeeze %dma_wait3A_54 : memref<1x1x250x80xi32, #tpu.memory_space<hbm>> -> memref<250x80xi32, #tpu.memory_space<hbm>>
      %dma_wait3A_56 = arith.constant 0 : i32
      %dma_wait3A_57 = arith.constant 0 : i32
      %dma_wait3A_58 = tpu.memref_slice %arg3[%arg1, %add3A_28, %dma_wait3A_56, %dma_wait3A_57] : memref<16x1x250x80xi32, #tpu.memory_space<hbm>> -> memref<1x1x250x80xi32, #tpu.memory_space<hbm>>
      %dma_wait3A_59 = tpu.memref_squeeze %dma_wait3A_58 : memref<1x1x250x80xi32, #tpu.memory_space<hbm>> -> memref<250x80xi32, #tpu.memory_space<hbm>>
      tpu.wait_dma2 semaphore(%run_scoped3A : memref<!tpu.dma_semaphore, #tpu.memory_space<semaphore_mem>>) src(%dma_wait3A_59 : memref<250x80xi32, #tpu.memory_space<hbm>>) dst(%arg6 : memref<250x80xi32, #tpu.memory_space<vmem>>)
      tpu.yield
    }) : () -> ()
    "tpu.region"() ({
      %run_scoped3A = tpu.sem_alloc : memref<!tpu.dma_semaphore, #tpu.memory_space<semaphore_mem>>
      %dma_start3A = arith.constant 0 : i32
      %dma_start3A_46 = arith.constant 0 : i32
      %dma_start3A_47 = tpu.memref_slice %arg4[%arg1, %add3A_28, %dma_start3A, %dma_start3A_46] : memref<16x1x250x80xi32, #tpu.memory_space<hbm>> -> memref<1x1x250x80xi32, #tpu.memory_space<hbm>>
      %dma_start3A_48 = tpu.memref_squeeze %dma_start3A_47 : memref<1x1x250x80xi32, #tpu.memory_space<hbm>> -> memref<250x80xi32, #tpu.memory_space<hbm>>
      %dma_start3A_49 = arith.constant 0 : i32
      %dma_start3A_50 = arith.constant 0 : i32
      %dma_start3A_51 = tpu.memref_slice %arg4[%arg1, %add3A_28, %dma_start3A_49, %dma_start3A_50] : memref<16x1x250x80xi32, #tpu.memory_space<hbm>> -> memref<1x1x250x80xi32, #tpu.memory_space<hbm>>
      %dma_start3A_52 = tpu.memref_squeeze %dma_start3A_51 : memref<1x1x250x80xi32, #tpu.memory_space<hbm>> -> memref<250x80xi32, #tpu.memory_space<hbm>>
      tpu.enqueue_dma source(%dma_start3A_52 : memref<250x80xi32, #tpu.memory_space<hbm>>) target(%arg7 : memref<250x80xi32, #tpu.memory_space<vmem>>) target_semaphore(%run_scoped3A : memref<!tpu.dma_semaphore, #tpu.memory_space<semaphore_mem>>)
      %dma_wait3A = arith.constant 0 : i32
      %dma_wait3A_53 = arith.constant 0 : i32
      %dma_wait3A_54 = tpu.memref_slice %arg4[%arg1, %add3A_28, %dma_wait3A, %dma_wait3A_53] : memref<16x1x250x80xi32, #tpu.memory_space<hbm>> -> memref<1x1x250x80xi32, #tpu.memory_space<hbm>>
      %dma_wait3A_55 = tpu.memref_squeeze %dma_wait3A_54 : memref<1x1x250x80xi32, #tpu.memory_space<hbm>> -> memref<250x80xi32, #tpu.memory_space<hbm>>
      %dma_wait3A_56 = arith.constant 0 : i32
      %dma_wait3A_57 = arith.constant 0 : i32
      %dma_wait3A_58 = tpu.memref_slice %arg4[%arg1, %add3A_28, %dma_wait3A_56, %dma_wait3A_57] : memref<16x1x250x80xi32, #tpu.memory_space<hbm>> -> memref<1x1x250x80xi32, #tpu.memory_space<hbm>>
      %dma_wait3A_59 = tpu.memref_squeeze %dma_wait3A_58 : memref<1x1x250x80xi32, #tpu.memory_space<hbm>> -> memref<250x80xi32, #tpu.memory_space<hbm>>
      tpu.wait_dma2 semaphore(%run_scoped3A : memref<!tpu.dma_semaphore, #tpu.memory_space<semaphore_mem>>) src(%dma_wait3A_59 : memref<250x80xi32, #tpu.memory_space<hbm>>) dst(%arg7 : memref<250x80xi32, #tpu.memory_space<vmem>>)
      tpu.yield
    }) : () -> ()
    %scan3A_29 = arith.constant 0 : i32
    %scan3A_30 = arith.constant 1250 : i32
    %scan3A_31 = arith.addi %scan3A_29, %scan3A_30 : i32
    %scan3A_32 = arith.constant 1 : i32
    scf.for %scan3A_46 = %scan3A_29 to %scan3A_31 step %scan3A_32  : i32 {
      %mul3A_47 = arith.constant 1 : i32
      %mul3A_48 = arith.muli %scan3A_46, %mul3A_47 : i32
      %add3A_49 = arith.constant 0 : i32
      %add3A_50 = arith.addi %add3A_49, %mul3A_48 : i32
      %jit3A = arith.constant 5 : i32
      %div3A = arith.divsi %add3A_50, %jit3A : i32
      %sign3A = arith.constant 0 : i32
      %sign3A_51 = arith.cmpi sgt, %add3A_50, %sign3A : i32
      %sign3A_52 = arith.extui %sign3A_51 : i1 to i32
      %sign3A_53 = arith.constant 0 : i32
      %sign3A_54 = arith.cmpi slt, %add3A_50, %sign3A_53 : i32
      %sign3A_55 = arith.extui %sign3A_54 : i1 to i32
      %sign3A_56 = arith.subi %sign3A_52, %sign3A_55 : i32
      %sign3A_57 = arith.constant 0 : i32
      %sign3A_58 = arith.cmpi sgt, %jit3A, %sign3A_57 : i32
      %sign3A_59 = arith.extui %sign3A_58 : i1 to i32
      %sign3A_60 = arith.constant 0 : i32
      %sign3A_61 = arith.cmpi slt, %jit3A, %sign3A_60 : i32
      %sign3A_62 = arith.extui %sign3A_61 : i1 to i32
      %sign3A_63 = arith.subi %sign3A_59, %sign3A_62 : i32
      %ne3A = arith.cmpi ne, %sign3A_56, %sign3A_63 : i32
      %rem3A = arith.remsi %add3A_50, %jit3A : i32
      %ne3A_64 = arith.constant 0 : i32
      %ne3A_65 = arith.cmpi ne, %rem3A, %ne3A_64 : i32
      %and3A = arith.andi %ne3A, %ne3A_65 : i1
      %sub3A = arith.constant 1 : i32
      %sub3A_66 = arith.subi %div3A, %sub3A : i32
      %select_n3A = arith.select %and3A, %sub3A_66, %div3A : i32
      %jit3A_67 = arith.constant 5 : i32
      %eq3A = arith.constant 0 : i32
      %eq3A_68 = arith.cmpi eq, %jit3A_67, %eq3A : i32
      %jit3A_69 = arith.constant 1 : i32
      %select_n3A_70 = arith.select %eq3A_68, %jit3A_69, %jit3A_67 : i32
      %rem3A_71 = arith.remsi %add3A_50, %select_n3A_70 : i32
      %ne3A_72 = arith.constant 0 : i32
      %ne3A_73 = arith.cmpi ne, %rem3A_71, %ne3A_72 : i32
      %lt3A = arith.constant 0 : i32
      %lt3A_74 = arith.cmpi slt, %rem3A_71, %lt3A : i32
      %lt3A_75 = arith.constant 0 : i32
      %lt3A_76 = arith.cmpi slt, %select_n3A_70, %lt3A_75 : i32
      %ne3A_77 = arith.xori %lt3A_74, %lt3A_76 : i1
      %and3A_78 = arith.andi %ne3A_77, %ne3A_73 : i1
      %add3A_79 = arith.addi %rem3A_71, %select_n3A_70 : i32
      %select_n3A_80 = arith.select %and3A_78, %add3A_79, %rem3A_71 : i32
      %mul3A_81 = arith.constant 16 : i32
      %mul3A_82 = arith.muli %select_n3A_80, %mul3A_81 : i32
      %get3A = arith.index_cast %select_n3A : i32 to index
      %get3A_83 = arith.index_cast %mul3A_82 : i32 to index
      %get3A_84 = tpu.vector_load %arg6[%get3A, %get3A_83] {strides = array<i32>} : memref<250x80xi32, #tpu.memory_space<vmem>>, vector<1x16xi32>,
      %get3A_85 = vector.shape_cast %get3A_84 : vector<1x16xi32> to vector<16xi32>
      %mul3A_86 = arith.constant 2 : i32
      %mul3A_87 = vector.broadcast %mul3A_86 : i32 to vector<16xi32>
      %mul3A_88 = arith.muli %get3A_85, %mul3A_87 : vector<16xi32>
      %add3A_89 = vector.broadcast %arg0 : i32 to vector<16xi32>
      %add3A_90 = arith.addi %mul3A_88, %add3A_89 : vector<16xi32>
      %mul3A_91 = arith.constant 16 : i32
      %mul3A_92 = arith.muli %select_n3A_80, %mul3A_91 : i32
      %swap3A = arith.index_cast %select_n3A : i32 to index
      %swap3A_93 = arith.index_cast %mul3A_92 : i32 to index
      %swap3A_94 = tpu.vector_load %arg6[%swap3A, %swap3A_93] {strides = array<i32>} : memref<250x80xi32, #tpu.memory_space<vmem>>, vector<1x16xi32>,
      %swap3A_95 = vector.shape_cast %swap3A_94 : vector<1x16xi32> to vector<16xi32>
      %swap3A_96 = vector.shape_cast %add3A_90 : vector<16xi32> to vector<1x16xi32>
      tpu.vector_store %arg6[%swap3A, %swap3A_93], %swap3A_96 {strides = array<i32>} : memref<250x80xi32, #tpu.memory_space<vmem>>, vector<1x16xi32>,
    }
    %scan3A_33 = arith.constant 1250 : i32
    %scan3A_34 = arith.constant 0 : i32
    %scan3A_35 = arith.constant 5 : i32
    %scan3A_36 = arith.addi %scan3A_34, %scan3A_35 : i32
    %scan3A_37 = arith.constant 1 : i32
    scf.for %scan3A_46 = %scan3A_34 to %scan3A_36 step %scan3A_37  : i32 {
      %mul3A_47 = arith.constant 1 : i32
      %mul3A_48 = arith.muli %scan3A_46, %mul3A_47 : i32
      %add3A_49 = arith.constant 0 : i32
      %add3A_50 = arith.addi %add3A_49, %mul3A_48 : i32
      %mul3A_51 = arith.constant 80 : i32
      %mul3A_52 = arith.muli %add3A_50, %mul3A_51 : i32
      %dma_start3A = arith.constant 0 : i32
      %dma_start3A_53 = tpu.memref_slice %arg8[%mul3A_52, %dma_start3A] : memref<400x64xf32, #tpu.memory_space<vmem>> -> memref<80x64xf32, #tpu.memory_space<vmem>>
      %dma_start3A_54 = arith.constant 0 : i32
      %dma_start3A_55 = tpu.memref_slice %arg6[%add3A_50, %dma_start3A_54] : memref<250x80xi32, #tpu.memory_space<vmem>> -> memref<1x80xi32, #tpu.memory_space<vmem>>
      %dma_start3A_56 = tpu.memref_squeeze %dma_start3A_55 : memref<1x80xi32, #tpu.memory_space<vmem>> -> memref<80xi32, #tpu.memory_space<vmem>>
      %dma_start3A_57 = arith.constant 0 : i32
      %dma_start3A_58 = arith.constant 0 : i32
      %dma_start3A_59 = tpu.memref_slice %arg2[%dma_start3A_57, %dma_start3A_58] : memref<20000x64xf32, #tpu.memory_space<hbm>> -> memref<20000x64xf32, #tpu.memory_space<hbm>>
      %dma_start3A_60 = tpu.memref_slice %arg10[%add3A_50] : memref<5x!tpu.dma_semaphore, #tpu.memory_space<semaphore_mem>> -> memref<1x!tpu.dma_semaphore, #tpu.memory_space<semaphore_mem>>
      %dma_start3A_61 = tpu.memref_squeeze %dma_start3A_60 : memref<1x!tpu.dma_semaphore, #tpu.memory_space<semaphore_mem>> -> memref<!tpu.dma_semaphore, #tpu.memory_space<semaphore_mem>>
      tpu.enqueue_indirect_dma source(%dma_start3A_59 : memref<20000x64xf32, #tpu.memory_space<hbm>>) target(%dma_start3A_53 : memref<80x64xf32, #tpu.memory_space<vmem>>) offsets(%dma_start3A_56 : memref<80xi32, #tpu.memory_space<vmem>>) semaphore(%dma_start3A_61 : memref<!tpu.dma_semaphore, #tpu.memory_space<semaphore_mem>>)
    }
    %scan3A_38 = arith.constant 5 : i32
    %scan3A_39 = arith.constant 0 : i32
    %scan3A_40 = arith.constant 250 : i32
    %scan3A_41 = arith.addi %scan3A_39, %scan3A_40 : i32
    %scan3A_42 = arith.constant 1 : i32
    scf.for %scan3A_46 = %scan3A_39 to %scan3A_41 step %scan3A_42  : i32 {
      %mul3A_47 = arith.constant 1 : i32
      %mul3A_48 = arith.muli %scan3A_46, %mul3A_47 : i32
      %add3A_49 = arith.constant 0 : i32
      %add3A_50 = arith.addi %add3A_49, %mul3A_48 : i32
      %jit3A = arith.constant 5 : i32
      %eq3A = arith.constant 0 : i32
      %eq3A_51 = arith.cmpi eq, %jit3A, %eq3A : i32
      %jit3A_52 = arith.constant 1 : i32
      %select_n3A = arith.select %eq3A_51, %jit3A_52, %jit3A : i32
      %rem3A = arith.remsi %add3A_50, %select_n3A : i32
      %ne3A = arith.constant 0 : i32
      %ne3A_53 = arith.cmpi ne, %rem3A, %ne3A : i32
      %lt3A = arith.constant 0 : i32
      %lt3A_54 = arith.cmpi slt, %rem3A, %lt3A : i32
      %lt3A_55 = arith.constant 0 : i32
      %lt3A_56 = arith.cmpi slt, %select_n3A, %lt3A_55 : i32
      %ne3A_57 = arith.xori %lt3A_54, %lt3A_56 : i1
      %and3A = arith.andi %ne3A_57, %ne3A_53 : i1
      %add3A_58 = arith.addi %rem3A, %select_n3A : i32
      %select_n3A_59 = arith.select %and3A, %add3A_58, %rem3A : i32
      %mul3A_60 = arith.constant 80 : i32
      %mul3A_61 = arith.muli %select_n3A_59, %mul3A_60 : i32
      %dma_wait3A = arith.constant 0 : i32
      %dma_wait3A_62 = tpu.memref_slice %arg8[%mul3A_61, %dma_wait3A] : memref<400x64xf32, #tpu.memory_space<vmem>> -> memref<80x64xf32, #tpu.memory_space<vmem>>
      %dma_wait3A_63 = arith.constant 0 : i32
      %dma_wait3A_64 = tpu.memref_slice %arg6[%add3A_50, %dma_wait3A_63] : memref<250x80xi32, #tpu.memory_space<vmem>> -> memref<1x80xi32, #tpu.memory_space<vmem>>
      %dma_wait3A_65 = tpu.memref_squeeze %dma_wait3A_64 : memref<1x80xi32, #tpu.memory_space<vmem>> -> memref<80xi32, #tpu.memory_space<vmem>>
      %dma_wait3A_66 = arith.constant 0 : i32
      %dma_wait3A_67 = arith.constant 0 : i32
      %dma_wait3A_68 = tpu.memref_slice %arg2[%dma_wait3A_66, %dma_wait3A_67] : memref<20000x64xf32, #tpu.memory_space<hbm>> -> memref<20000x64xf32, #tpu.memory_space<hbm>>
      %dma_wait3A_69 = tpu.memref_slice %arg10[%select_n3A_59] : memref<5x!tpu.dma_semaphore, #tpu.memory_space<semaphore_mem>> -> memref<1x!tpu.dma_semaphore, #tpu.memory_space<semaphore_mem>>
      %dma_wait3A_70 = tpu.memref_squeeze %dma_wait3A_69 : memref<1x!tpu.dma_semaphore, #tpu.memory_space<semaphore_mem>> -> memref<!tpu.dma_semaphore, #tpu.memory_space<semaphore_mem>>
      tpu.wait_indirect_dma semaphore(%dma_wait3A_70 : memref<!tpu.dma_semaphore, #tpu.memory_space<semaphore_mem>>) src(%dma_wait3A_68 : memref<20000x64xf32, #tpu.memory_space<hbm>>) dst(%dma_wait3A_62 : memref<80x64xf32, #tpu.memory_space<vmem>>)
      "tpu.region"() ({
        %run_scoped3A = tpu.sem_alloc : memref<!tpu.dma_semaphore, #tpu.memory_space<semaphore_mem>>
        %dma_start3A = arith.constant 0 : i32
        %dma_start3A_76 = tpu.memref_slice %arg8[%mul3A_61, %dma_start3A] : memref<400x64xf32, #tpu.memory_space<vmem>> -> memref<80x64xf32, #tpu.memory_space<vmem>>
        %dma_start3A_77 = arith.constant 0 : i32
        %dma_start3A_78 = tpu.memref_slice %arg7[%add3A_50, %dma_start3A_77] : memref<250x80xi32, #tpu.memory_space<vmem>> -> memref<1x80xi32, #tpu.memory_space<vmem>>
        %dma_start3A_79 = tpu.memref_squeeze %dma_start3A_78 : memref<1x80xi32, #tpu.memory_space<vmem>> -> memref<80xi32, #tpu.memory_space<vmem>>
        %dma_start3A_80 = arith.constant 0 : i32
        %dma_start3A_81 = arith.constant 0 : i32
        %dma_start3A_82 = tpu.memref_slice %arg11[%dma_start3A_80, %dma_start3A_81] : memref<10240x64xf32, #tpu.memory_space<vmem_shared>> -> memref<10240x64xf32, #tpu.memory_space<vmem_shared>>
        tpu.enqueue_indirect_dma source(%dma_start3A_76 : memref<80x64xf32, #tpu.memory_space<vmem>>) target(%dma_start3A_82 : memref<10240x64xf32, #tpu.memory_space<vmem_shared>>) offsets(%dma_start3A_79 : memref<80xi32, #tpu.memory_space<vmem>>) semaphore(%run_scoped3A : memref<!tpu.dma_semaphore, #tpu.memory_space<semaphore_mem>>) {add = true}
        %dma_wait3A_83 = arith.constant 0 : i32
        %dma_wait3A_84 = tpu.memref_slice %arg8[%mul3A_61, %dma_wait3A_83] : memref<400x64xf32, #tpu.memory_space<vmem>> -> memref<80x64xf32, #tpu.memory_space<vmem>>
        %dma_wait3A_85 = arith.constant 0 : i32
        %dma_wait3A_86 = tpu.memref_slice %arg7[%add3A_50, %dma_wait3A_85] : memref<250x80xi32, #tpu.memory_space<vmem>> -> memref<1x80xi32, #tpu.memory_space<vmem>>
        %dma_wait3A_87 = tpu.memref_squeeze %dma_wait3A_86 : memref<1x80xi32, #tpu.memory_space<vmem>> -> memref<80xi32, #tpu.memory_space<vmem>>
        %dma_wait3A_88 = arith.constant 0 : i32
        %dma_wait3A_89 = arith.constant 0 : i32
        %dma_wait3A_90 = tpu.memref_slice %arg11[%dma_wait3A_88, %dma_wait3A_89] : memref<10240x64xf32, #tpu.memory_space<vmem_shared>> -> memref<10240x64xf32, #tpu.memory_space<vmem_shared>>
        tpu.wait_indirect_dma semaphore(%run_scoped3A : memref<!tpu.dma_semaphore, #tpu.memory_space<semaphore_mem>>) src(%dma_wait3A_84 : memref<80x64xf32, #tpu.memory_space<vmem>>) dst(%dma_wait3A_90 : memref<10240x64xf32, #tpu.memory_space<vmem_shared>>)
        tpu.yield
      }) : () -> ()
      %add3A_71 = arith.constant 5 : i32
      %add3A_72 = arith.addi %add3A_50, %add3A_71 : i32
      %lt3A_73 = arith.constant 250 : i32
      %lt3A_74 = arith.cmpi slt, %add3A_72, %lt3A_73 : i32
      %convert_element_type3A = arith.extui %lt3A_74 : i1 to i32
      %cond3A = arith.constant 0 : i32
      %cond3A_75 = arith.cmpi ne, %convert_element_type3A, %cond3A : i32
      scf.if %cond3A_75 {
        %dma_start3A = arith.constant 0 : i32
        %dma_start3A_76 = tpu.memref_slice %arg8[%mul3A_61, %dma_start3A] : memref<400x64xf32, #tpu.memory_space<vmem>> -> memref<80x64xf32, #tpu.memory_space<vmem>>
        %dma_start3A_77 = arith.constant 0 : i32
        %dma_start3A_78 = tpu.memref_slice %arg6[%add3A_72, %dma_start3A_77] : memref<250x80xi32, #tpu.memory_space<vmem>> -> memref<1x80xi32, #tpu.memory_space<vmem>>
        %dma_start3A_79 = tpu.memref_squeeze %dma_start3A_78 : memref<1x80xi32, #tpu.memory_space<vmem>> -> memref<80xi32, #tpu.memory_space<vmem>>
        %dma_start3A_80 = arith.constant 0 : i32
        %dma_start3A_81 = arith.constant 0 : i32
        %dma_start3A_82 = tpu.memref_slice %arg2[%dma_start3A_80, %dma_start3A_81] : memref<20000x64xf32, #tpu.memory_space<hbm>> -> memref<20000x64xf32, #tpu.memory_space<hbm>>
        %dma_start3A_83 = tpu.memref_slice %arg10[%select_n3A_59] : memref<5x!tpu.dma_semaphore, #tpu.memory_space<semaphore_mem>> -> memref<1x!tpu.dma_semaphore, #tpu.memory_space<semaphore_mem>>
        %dma_start3A_84 = tpu.memref_squeeze %dma_start3A_83 : memref<1x!tpu.dma_semaphore, #tpu.memory_space<semaphore_mem>> -> memref<!tpu.dma_semaphore, #tpu.memory_space<semaphore_mem>>
        tpu.enqueue_indirect_dma source(%dma_start3A_82 : memref<20000x64xf32, #tpu.memory_space<hbm>>) target(%dma_start3A_76 : memref<80x64xf32, #tpu.memory_space<vmem>>) offsets(%dma_start3A_79 : memref<80xi32, #tpu.memory_space<vmem>>) semaphore(%dma_start3A_84 : memref<!tpu.dma_semaphore, #tpu.memory_space<semaphore_mem>>)
      } else {
      }
    }
    %scan3A_43 = arith.constant 250 : i32
    %scan3A_44 = arith.constant 1 : i32
    %barrier3A_45 = arith.constant 0 : index
    tpu.barrier barrier_id(%barrier3A_45)
    "tpu.region"() ({
      %run_scoped3A = tpu.sem_alloc : memref<!tpu.dma_semaphore, #tpu.memory_space<semaphore_mem>>
      %dma_start3A = arith.constant 0 : i32
      %dma_start3A_46 = tpu.memref_slice %arg5[%arg0, %mul3A_0, %dma_start3A] : memref<2x10240x64xf32, #tpu.memory_space<hbm>> -> memref<1x640x64xf32, #tpu.memory_space<hbm>>
      %dma_start3A_47 = tpu.memref_squeeze %dma_start3A_46 : memref<1x640x64xf32, #tpu.memory_space<hbm>> -> memref<640x64xf32, #tpu.memory_space<hbm>>
      %dma_start3A_48 = arith.constant 0 : i32
      %dma_start3A_49 = tpu.memref_slice %arg11[%mul3A_0, %dma_start3A_48] : memref<10240x64xf32, #tpu.memory_space<vmem_shared>> -> memref<640x64xf32, #tpu.memory_space<vmem_shared>>
      tpu.enqueue_dma source(%dma_start3A_49 : memref<640x64xf32, #tpu.memory_space<vmem_shared>>) target(%dma_start3A_47 : memref<640x64xf32, #tpu.memory_space<hbm>>) target_semaphore(%run_scoped3A : memref<!tpu.dma_semaphore, #tpu.memory_space<semaphore_mem>>)
      %dma_wait3A = arith.constant 0 : i32
      %dma_wait3A_50 = tpu.memref_slice %arg5[%arg0, %mul3A_0, %dma_wait3A] : memref<2x10240x64xf32, #tpu.memory_space<hbm>> -> memref<1x640x64xf32, #tpu.memory_space<hbm>>
      %dma_wait3A_51 = tpu.memref_squeeze %dma_wait3A_50 : memref<1x640x64xf32, #tpu.memory_space<hbm>> -> memref<640x64xf32, #tpu.memory_space<hbm>>
      %dma_wait3A_52 = arith.constant 0 : i32
      %dma_wait3A_53 = tpu.memref_slice %arg11[%mul3A_0, %dma_wait3A_52] : memref<10240x64xf32, #tpu.memory_space<vmem_shared>> -> memref<640x64xf32, #tpu.memory_space<vmem_shared>>
      tpu.wait_dma2 semaphore(%run_scoped3A : memref<!tpu.dma_semaphore, #tpu.memory_space<semaphore_mem>>) src(%dma_wait3A_53 : memref<640x64xf32, #tpu.memory_space<vmem_shared>>) dst(%dma_wait3A_51 : memref<640x64xf32, #tpu.memory_space<hbm>>)
      tpu.yield
    }) : () -> ()
    return
  }
}

#map = affine_map<(d0, d1) -> (0, 0)>
#map1 = affine_map<(d0, d1) -> (0, 0, 0, 0)>
#map2 = affine_map<(d0, d1) -> (0, 0, 0)>
module attributes {stable_mosaic.version = 14 : i64} {
  func.func @_sc_body(%arg0: i32, %arg1: i32, %arg2: memref<20000x64xf32, #tpu.memory_space<hbm>>, %arg3: memref<16x1x250x80xi32, #tpu.memory_space<hbm>>, %arg4: memref<16x1x250x80xi32, #tpu.memory_space<hbm>>, %arg5: memref<2x10240x64xf32, #tpu.memory_space<hbm>>, %arg6: memref<2x10240x16xf32, #tpu.memory_space<hbm>>, %arg7: memref<250x80xi32, #tpu.memory_space<vmem>>, %arg8: memref<250x80xi32, #tpu.memory_space<vmem>>, %arg9: memref<400x64xf32, #tpu.memory_space<vmem>>, %arg10: memref<64x64xf32, #tpu.memory_space<vmem>>, %arg11: memref<5x!tpu.dma_semaphore, #tpu.memory_space<semaphore_mem>>, %arg12: memref<80x16xf32, #tpu.memory_space<vmem>>, %arg13: memref<64x16xf32, #tpu.memory_space<vmem>>, %arg14: memref<10240x64xf32, #tpu.memory_space<vmem_shared>>, %arg15: memref<10240x16xf32, #tpu.memory_space<vmem_shared>>) attributes {dimension_semantics = [#tpu.dimension_semantics<core_parallel>, #tpu.dimension_semantics<subcore_parallel>], iteration_bounds = array<i64: 2, 16>, scalar_prefetch = 0 : i64, scratch_operands = 9 : i64, tpu.core_type = #tpu.core_type<sc_vector_subcore>, window_params = [{transform_indices = #map}, {transform_indices = #map1}, {transform_indices = #map1}, {transform_indices = #map2}, {transform_indices = #map2}]} {
    %mul3A = arith.constant 640 : i32
    %mul3A_0 = arith.muli %arg1, %mul3A : i32
    %scan3A = arith.constant 0 : i32
    %scan3A_1 = arith.constant 64 : i32
    %scan3A_2 = arith.addi %scan3A, %scan3A_1 : i32
    %scan3A_3 = arith.constant 1 : i32
    scf.for %scan3A_71 = %scan3A to %scan3A_2 step %scan3A_3  : i32 {
      %mul3A_72 = arith.constant 1 : i32
      %mul3A_73 = arith.muli %scan3A_71, %mul3A_72 : i32
      %add3A_74 = arith.constant 0 : i32
      %add3A_75 = arith.addi %add3A_74, %mul3A_73 : i32
      %broadcast_in_dim3A = arith.constant 0.000000e+00 : f32
      %broadcast_in_dim3A_76 = vector.broadcast %broadcast_in_dim3A : f32 to vector<16xf32>
      %swap3A = arith.index_cast %add3A_75 : i32 to index
      %swap3A_77 = arith.constant 0 : index
      %swap3A_78 = tpu.vector_load %arg10[%swap3A, %swap3A_77] {strides = array<i32>} : memref<64x64xf32, #tpu.memory_space<vmem>>, vector<1x16xf32>,
      %swap3A_79 = vector.shape_cast %swap3A_78 : vector<1x16xf32> to vector<16xf32>
      %swap3A_80 = vector.shape_cast %broadcast_in_dim3A_76 : vector<16xf32> to vector<1x16xf32>
      tpu.vector_store %arg10[%swap3A, %swap3A_77], %swap3A_80 {strides = array<i32>} : memref<64x64xf32, #tpu.memory_space<vmem>>, vector<1x16xf32>,
      %broadcast_in_dim3A_81 = arith.constant 0.000000e+00 : f32
      %broadcast_in_dim3A_82 = vector.broadcast %broadcast_in_dim3A_81 : f32 to vector<16xf32>
      %swap3A_83 = arith.index_cast %add3A_75 : i32 to index
      %swap3A_84 = arith.constant 16 : index
      %swap3A_85 = tpu.vector_load %arg10[%swap3A_83, %swap3A_84] {strides = array<i32>} : memref<64x64xf32, #tpu.memory_space<vmem>>, vector<1x16xf32>,
      %swap3A_86 = vector.shape_cast %swap3A_85 : vector<1x16xf32> to vector<16xf32>
      %swap3A_87 = vector.shape_cast %broadcast_in_dim3A_82 : vector<16xf32> to vector<1x16xf32>
      tpu.vector_store %arg10[%swap3A_83, %swap3A_84], %swap3A_87 {strides = array<i32>} : memref<64x64xf32, #tpu.memory_space<vmem>>, vector<1x16xf32>,
      %broadcast_in_dim3A_88 = arith.constant 0.000000e+00 : f32
      %broadcast_in_dim3A_89 = vector.broadcast %broadcast_in_dim3A_88 : f32 to vector<16xf32>
      %swap3A_90 = arith.index_cast %add3A_75 : i32 to index
      %swap3A_91 = arith.constant 32 : index
      %swap3A_92 = tpu.vector_load %arg10[%swap3A_90, %swap3A_91] {strides = array<i32>} : memref<64x64xf32, #tpu.memory_space<vmem>>, vector<1x16xf32>,
      %swap3A_93 = vector.shape_cast %swap3A_92 : vector<1x16xf32> to vector<16xf32>
      %swap3A_94 = vector.shape_cast %broadcast_in_dim3A_89 : vector<16xf32> to vector<1x16xf32>
      tpu.vector_store %arg10[%swap3A_90, %swap3A_91], %swap3A_94 {strides = array<i32>} : memref<64x64xf32, #tpu.memory_space<vmem>>, vector<1x16xf32>,
      %broadcast_in_dim3A_95 = arith.constant 0.000000e+00 : f32
      %broadcast_in_dim3A_96 = vector.broadcast %broadcast_in_dim3A_95 : f32 to vector<16xf32>
      %swap3A_97 = arith.index_cast %add3A_75 : i32 to index
      %swap3A_98 = arith.constant 48 : index
      %swap3A_99 = tpu.vector_load %arg10[%swap3A_97, %swap3A_98] {strides = array<i32>} : memref<64x64xf32, #tpu.memory_space<vmem>>, vector<1x16xf32>,
      %swap3A_100 = vector.shape_cast %swap3A_99 : vector<1x16xf32> to vector<16xf32>
      %swap3A_101 = vector.shape_cast %broadcast_in_dim3A_96 : vector<16xf32> to vector<1x16xf32>
      tpu.vector_store %arg10[%swap3A_97, %swap3A_98], %swap3A_101 {strides = array<i32>} : memref<64x64xf32, #tpu.memory_space<vmem>>, vector<1x16xf32>,
      %broadcast_in_dim3A_102 = arith.constant 0.000000e+00 : f32
      %broadcast_in_dim3A_103 = vector.broadcast %broadcast_in_dim3A_102 : f32 to vector<16xf32>
      %swap3A_104 = arith.index_cast %add3A_75 : i32 to index
      %swap3A_105 = arith.constant 0 : index
      %swap3A_106 = tpu.vector_load %arg13[%swap3A_104, %swap3A_105] {strides = array<i32>} : memref<64x16xf32, #tpu.memory_space<vmem>>, vector<1x16xf32>,
      %swap3A_107 = vector.shape_cast %swap3A_106 : vector<1x16xf32> to vector<16xf32>
      %swap3A_108 = vector.shape_cast %broadcast_in_dim3A_103 : vector<16xf32> to vector<1x16xf32>
      tpu.vector_store %arg13[%swap3A_104, %swap3A_105], %swap3A_108 {strides = array<i32>} : memref<64x16xf32, #tpu.memory_space<vmem>>, vector<1x16xf32>,
    }
    %scan3A_4 = arith.constant 64 : i32
    %scan3A_5 = arith.constant 0 : i32
    %scan3A_6 = arith.constant 80 : i32
    %scan3A_7 = arith.addi %scan3A_5, %scan3A_6 : i32
    %scan3A_8 = arith.constant 1 : i32
    scf.for %scan3A_71 = %scan3A_5 to %scan3A_7 step %scan3A_8  : i32 {
      %mul3A_72 = arith.constant 1 : i32
      %mul3A_73 = arith.muli %scan3A_71, %mul3A_72 : i32
      %add3A_74 = arith.constant 0 : i32
      %add3A_75 = arith.addi %add3A_74, %mul3A_73 : i32
      %broadcast_in_dim3A = arith.constant 1.000000e+00 : f32
      %broadcast_in_dim3A_76 = vector.broadcast %broadcast_in_dim3A : f32 to vector<16xf32>
      %swap3A = arith.index_cast %add3A_75 : i32 to index
      %swap3A_77 = arith.constant 0 : index
      %swap3A_78 = tpu.vector_load %arg12[%swap3A, %swap3A_77] {strides = array<i32>} : memref<80x16xf32, #tpu.memory_space<vmem>>, vector<1x16xf32>,
      %swap3A_79 = vector.shape_cast %swap3A_78 : vector<1x16xf32> to vector<16xf32>
      %swap3A_80 = vector.shape_cast %broadcast_in_dim3A_76 : vector<16xf32> to vector<1x16xf32>
      tpu.vector_store %arg12[%swap3A, %swap3A_77], %swap3A_80 {strides = array<i32>} : memref<80x16xf32, #tpu.memory_space<vmem>>, vector<1x16xf32>,
    }
    %scan3A_9 = arith.constant 80 : i32
    %add3A = arith.constant 0 : i32
    %add3A_10 = arith.addi %mul3A_0, %add3A : i32
    "tpu.region"() ({
      %run_scoped3A = tpu.sem_alloc : memref<!tpu.dma_semaphore, #tpu.memory_space<semaphore_mem>>
      %dma_start3A = arith.constant 0 : i32
      %dma_start3A_71 = tpu.memref_slice %arg14[%add3A_10, %dma_start3A] : memref<10240x64xf32, #tpu.memory_space<vmem_shared>> -> memref<64x64xf32, #tpu.memory_space<vmem_shared>>
      %dma_start3A_72 = arith.constant 0 : i32
      %dma_start3A_73 = tpu.memref_slice %arg14[%add3A_10, %dma_start3A_72] : memref<10240x64xf32, #tpu.memory_space<vmem_shared>> -> memref<64x64xf32, #tpu.memory_space<vmem_shared>>
      tpu.enqueue_dma source(%arg10 : memref<64x64xf32, #tpu.memory_space<vmem>>) target(%dma_start3A_73 : memref<64x64xf32, #tpu.memory_space<vmem_shared>>) target_semaphore(%run_scoped3A : memref<!tpu.dma_semaphore, #tpu.memory_space<semaphore_mem>>)
      %dma_wait3A = arith.constant 0 : i32
      %dma_wait3A_74 = tpu.memref_slice %arg14[%add3A_10, %dma_wait3A] : memref<10240x64xf32, #tpu.memory_space<vmem_shared>> -> memref<64x64xf32, #tpu.memory_space<vmem_shared>>
      %dma_wait3A_75 = arith.constant 0 : i32
      %dma_wait3A_76 = tpu.memref_slice %arg14[%add3A_10, %dma_wait3A_75] : memref<10240x64xf32, #tpu.memory_space<vmem_shared>> -> memref<64x64xf32, #tpu.memory_space<vmem_shared>>
      tpu.wait_dma2 semaphore(%run_scoped3A : memref<!tpu.dma_semaphore, #tpu.memory_space<semaphore_mem>>) src(%arg10 : memref<64x64xf32, #tpu.memory_space<vmem>>) dst(%dma_wait3A_76 : memref<64x64xf32, #tpu.memory_space<vmem_shared>>)
      tpu.yield
    }) : () -> ()
    %add3A_11 = arith.constant 0 : i32
    %add3A_12 = arith.addi %mul3A_0, %add3A_11 : i32
    "tpu.region"() ({
      %run_scoped3A = tpu.sem_alloc : memref<!tpu.dma_semaphore, #tpu.memory_space<semaphore_mem>>
      %dma_start3A = arith.constant 0 : i32
      %dma_start3A_71 = tpu.memref_slice %arg15[%add3A_12, %dma_start3A] : memref<10240x16xf32, #tpu.memory_space<vmem_shared>> -> memref<64x16xf32, #tpu.memory_space<vmem_shared>>
      %dma_start3A_72 = arith.constant 0 : i32
      %dma_start3A_73 = tpu.memref_slice %arg15[%add3A_12, %dma_start3A_72] : memref<10240x16xf32, #tpu.memory_space<vmem_shared>> -> memref<64x16xf32, #tpu.memory_space<vmem_shared>>
      tpu.enqueue_dma source(%arg13 : memref<64x16xf32, #tpu.memory_space<vmem>>) target(%dma_start3A_73 : memref<64x16xf32, #tpu.memory_space<vmem_shared>>) target_semaphore(%run_scoped3A : memref<!tpu.dma_semaphore, #tpu.memory_space<semaphore_mem>>)
      %dma_wait3A = arith.constant 0 : i32
      %dma_wait3A_74 = tpu.memref_slice %arg15[%add3A_12, %dma_wait3A] : memref<10240x16xf32, #tpu.memory_space<vmem_shared>> -> memref<64x16xf32, #tpu.memory_space<vmem_shared>>
      %dma_wait3A_75 = arith.constant 0 : i32
      %dma_wait3A_76 = tpu.memref_slice %arg15[%add3A_12, %dma_wait3A_75] : memref<10240x16xf32, #tpu.memory_space<vmem_shared>> -> memref<64x16xf32, #tpu.memory_space<vmem_shared>>
      tpu.wait_dma2 semaphore(%run_scoped3A : memref<!tpu.dma_semaphore, #tpu.memory_space<semaphore_mem>>) src(%arg13 : memref<64x16xf32, #tpu.memory_space<vmem>>) dst(%dma_wait3A_76 : memref<64x16xf32, #tpu.memory_space<vmem_shared>>)
      tpu.yield
    }) : () -> ()
    %add3A_13 = arith.constant 64 : i32
    %add3A_14 = arith.addi %mul3A_0, %add3A_13 : i32
    "tpu.region"() ({
      %run_scoped3A = tpu.sem_alloc : memref<!tpu.dma_semaphore, #tpu.memory_space<semaphore_mem>>
      %dma_start3A = arith.constant 0 : i32
      %dma_start3A_71 = tpu.memref_slice %arg14[%add3A_14, %dma_start3A] : memref<10240x64xf32, #tpu.memory_space<vmem_shared>> -> memref<64x64xf32, #tpu.memory_space<vmem_shared>>
      %dma_start3A_72 = arith.constant 0 : i32
      %dma_start3A_73 = tpu.memref_slice %arg14[%add3A_14, %dma_start3A_72] : memref<10240x64xf32, #tpu.memory_space<vmem_shared>> -> memref<64x64xf32, #tpu.memory_space<vmem_shared>>
      tpu.enqueue_dma source(%arg10 : memref<64x64xf32, #tpu.memory_space<vmem>>) target(%dma_start3A_73 : memref<64x64xf32, #tpu.memory_space<vmem_shared>>) target_semaphore(%run_scoped3A : memref<!tpu.dma_semaphore, #tpu.memory_space<semaphore_mem>>)
      %dma_wait3A = arith.constant 0 : i32
      %dma_wait3A_74 = tpu.memref_slice %arg14[%add3A_14, %dma_wait3A] : memref<10240x64xf32, #tpu.memory_space<vmem_shared>> -> memref<64x64xf32, #tpu.memory_space<vmem_shared>>
      %dma_wait3A_75 = arith.constant 0 : i32
      %dma_wait3A_76 = tpu.memref_slice %arg14[%add3A_14, %dma_wait3A_75] : memref<10240x64xf32, #tpu.memory_space<vmem_shared>> -> memref<64x64xf32, #tpu.memory_space<vmem_shared>>
      tpu.wait_dma2 semaphore(%run_scoped3A : memref<!tpu.dma_semaphore, #tpu.memory_space<semaphore_mem>>) src(%arg10 : memref<64x64xf32, #tpu.memory_space<vmem>>) dst(%dma_wait3A_76 : memref<64x64xf32, #tpu.memory_space<vmem_shared>>)
      tpu.yield
    }) : () -> ()
    %add3A_15 = arith.constant 64 : i32
    %add3A_16 = arith.addi %mul3A_0, %add3A_15 : i32
    "tpu.region"() ({
      %run_scoped3A = tpu.sem_alloc : memref<!tpu.dma_semaphore, #tpu.memory_space<semaphore_mem>>
      %dma_start3A = arith.constant 0 : i32
      %dma_start3A_71 = tpu.memref_slice %arg15[%add3A_16, %dma_start3A] : memref<10240x16xf32, #tpu.memory_space<vmem_shared>> -> memref<64x16xf32, #tpu.memory_space<vmem_shared>>
      %dma_start3A_72 = arith.constant 0 : i32
      %dma_start3A_73 = tpu.memref_slice %arg15[%add3A_16, %dma_start3A_72] : memref<10240x16xf32, #tpu.memory_space<vmem_shared>> -> memref<64x16xf32, #tpu.memory_space<vmem_shared>>
      tpu.enqueue_dma source(%arg13 : memref<64x16xf32, #tpu.memory_space<vmem>>) target(%dma_start3A_73 : memref<64x16xf32, #tpu.memory_space<vmem_shared>>) target_semaphore(%run_scoped3A : memref<!tpu.dma_semaphore, #tpu.memory_space<semaphore_mem>>)
      %dma_wait3A = arith.constant 0 : i32
      %dma_wait3A_74 = tpu.memref_slice %arg15[%add3A_16, %dma_wait3A] : memref<10240x16xf32, #tpu.memory_space<vmem_shared>> -> memref<64x16xf32, #tpu.memory_space<vmem_shared>>
      %dma_wait3A_75 = arith.constant 0 : i32
      %dma_wait3A_76 = tpu.memref_slice %arg15[%add3A_16, %dma_wait3A_75] : memref<10240x16xf32, #tpu.memory_space<vmem_shared>> -> memref<64x16xf32, #tpu.memory_space<vmem_shared>>
      tpu.wait_dma2 semaphore(%run_scoped3A : memref<!tpu.dma_semaphore, #tpu.memory_space<semaphore_mem>>) src(%arg13 : memref<64x16xf32, #tpu.memory_space<vmem>>) dst(%dma_wait3A_76 : memref<64x16xf32, #tpu.memory_space<vmem_shared>>)
      tpu.yield
    }) : () -> ()
    %add3A_17 = arith.constant 128 : i32
    %add3A_18 = arith.addi %mul3A_0, %add3A_17 : i32
    "tpu.region"() ({
      %run_scoped3A = tpu.sem_alloc : memref<!tpu.dma_semaphore, #tpu.memory_space<semaphore_mem>>
      %dma_start3A = arith.constant 0 : i32
      %dma_start3A_71 = tpu.memref_slice %arg14[%add3A_18, %dma_start3A] : memref<10240x64xf32, #tpu.memory_space<vmem_shared>> -> memref<64x64xf32, #tpu.memory_space<vmem_shared>>
      %dma_start3A_72 = arith.constant 0 : i32
      %dma_start3A_73 = tpu.memref_slice %arg14[%add3A_18, %dma_start3A_72] : memref<10240x64xf32, #tpu.memory_space<vmem_shared>> -> memref<64x64xf32, #tpu.memory_space<vmem_shared>>
      tpu.enqueue_dma source(%arg10 : memref<64x64xf32, #tpu.memory_space<vmem>>) target(%dma_start3A_73 : memref<64x64xf32, #tpu.memory_space<vmem_shared>>) target_semaphore(%run_scoped3A : memref<!tpu.dma_semaphore, #tpu.memory_space<semaphore_mem>>)
      %dma_wait3A = arith.constant 0 : i32
      %dma_wait3A_74 = tpu.memref_slice %arg14[%add3A_18, %dma_wait3A] : memref<10240x64xf32, #tpu.memory_space<vmem_shared>> -> memref<64x64xf32, #tpu.memory_space<vmem_shared>>
      %dma_wait3A_75 = arith.constant 0 : i32
      %dma_wait3A_76 = tpu.memref_slice %arg14[%add3A_18, %dma_wait3A_75] : memref<10240x64xf32, #tpu.memory_space<vmem_shared>> -> memref<64x64xf32, #tpu.memory_space<vmem_shared>>
      tpu.wait_dma2 semaphore(%run_scoped3A : memref<!tpu.dma_semaphore, #tpu.memory_space<semaphore_mem>>) src(%arg10 : memref<64x64xf32, #tpu.memory_space<vmem>>) dst(%dma_wait3A_76 : memref<64x64xf32, #tpu.memory_space<vmem_shared>>)
      tpu.yield
    }) : () -> ()
    %add3A_19 = arith.constant 128 : i32
    %add3A_20 = arith.addi %mul3A_0, %add3A_19 : i32
    "tpu.region"() ({
      %run_scoped3A = tpu.sem_alloc : memref<!tpu.dma_semaphore, #tpu.memory_space<semaphore_mem>>
      %dma_start3A = arith.constant 0 : i32
      %dma_start3A_71 = tpu.memref_slice %arg15[%add3A_20, %dma_start3A] : memref<10240x16xf32, #tpu.memory_space<vmem_shared>> -> memref<64x16xf32, #tpu.memory_space<vmem_shared>>
      %dma_start3A_72 = arith.constant 0 : i32
      %dma_start3A_73 = tpu.memref_slice %arg15[%add3A_20, %dma_start3A_72] : memref<10240x16xf32, #tpu.memory_space<vmem_shared>> -> memref<64x16xf32, #tpu.memory_space<vmem_shared>>
      tpu.enqueue_dma source(%arg13 : memref<64x16xf32, #tpu.memory_space<vmem>>) target(%dma_start3A_73 : memref<64x16xf32, #tpu.memory_space<vmem_shared>>) target_semaphore(%run_scoped3A : memref<!tpu.dma_semaphore, #tpu.memory_space<semaphore_mem>>)
      %dma_wait3A = arith.constant 0 : i32
      %dma_wait3A_74 = tpu.memref_slice %arg15[%add3A_20, %dma_wait3A] : memref<10240x16xf32, #tpu.memory_space<vmem_shared>> -> memref<64x16xf32, #tpu.memory_space<vmem_shared>>
      %dma_wait3A_75 = arith.constant 0 : i32
      %dma_wait3A_76 = tpu.memref_slice %arg15[%add3A_20, %dma_wait3A_75] : memref<10240x16xf32, #tpu.memory_space<vmem_shared>> -> memref<64x16xf32, #tpu.memory_space<vmem_shared>>
      tpu.wait_dma2 semaphore(%run_scoped3A : memref<!tpu.dma_semaphore, #tpu.memory_space<semaphore_mem>>) src(%arg13 : memref<64x16xf32, #tpu.memory_space<vmem>>) dst(%dma_wait3A_76 : memref<64x16xf32, #tpu.memory_space<vmem_shared>>)
      tpu.yield
    }) : () -> ()
    %add3A_21 = arith.constant 192 : i32
    %add3A_22 = arith.addi %mul3A_0, %add3A_21 : i32
    "tpu.region"() ({
      %run_scoped3A = tpu.sem_alloc : memref<!tpu.dma_semaphore, #tpu.memory_space<semaphore_mem>>
      %dma_start3A = arith.constant 0 : i32
      %dma_start3A_71 = tpu.memref_slice %arg14[%add3A_22, %dma_start3A] : memref<10240x64xf32, #tpu.memory_space<vmem_shared>> -> memref<64x64xf32, #tpu.memory_space<vmem_shared>>
      %dma_start3A_72 = arith.constant 0 : i32
      %dma_start3A_73 = tpu.memref_slice %arg14[%add3A_22, %dma_start3A_72] : memref<10240x64xf32, #tpu.memory_space<vmem_shared>> -> memref<64x64xf32, #tpu.memory_space<vmem_shared>>
      tpu.enqueue_dma source(%arg10 : memref<64x64xf32, #tpu.memory_space<vmem>>) target(%dma_start3A_73 : memref<64x64xf32, #tpu.memory_space<vmem_shared>>) target_semaphore(%run_scoped3A : memref<!tpu.dma_semaphore, #tpu.memory_space<semaphore_mem>>)
      %dma_wait3A = arith.constant 0 : i32
      %dma_wait3A_74 = tpu.memref_slice %arg14[%add3A_22, %dma_wait3A] : memref<10240x64xf32, #tpu.memory_space<vmem_shared>> -> memref<64x64xf32, #tpu.memory_space<vmem_shared>>
      %dma_wait3A_75 = arith.constant 0 : i32
      %dma_wait3A_76 = tpu.memref_slice %arg14[%add3A_22, %dma_wait3A_75] : memref<10240x64xf32, #tpu.memory_space<vmem_shared>> -> memref<64x64xf32, #tpu.memory_space<vmem_shared>>
      tpu.wait_dma2 semaphore(%run_scoped3A : memref<!tpu.dma_semaphore, #tpu.memory_space<semaphore_mem>>) src(%arg10 : memref<64x64xf32, #tpu.memory_space<vmem>>) dst(%dma_wait3A_76 : memref<64x64xf32, #tpu.memory_space<vmem_shared>>)
      tpu.yield
    }) : () -> ()
    %add3A_23 = arith.constant 192 : i32
    %add3A_24 = arith.addi %mul3A_0, %add3A_23 : i32
    "tpu.region"() ({
      %run_scoped3A = tpu.sem_alloc : memref<!tpu.dma_semaphore, #tpu.memory_space<semaphore_mem>>
      %dma_start3A = arith.constant 0 : i32
      %dma_start3A_71 = tpu.memref_slice %arg15[%add3A_24, %dma_start3A] : memref<10240x16xf32, #tpu.memory_space<vmem_shared>> -> memref<64x16xf32, #tpu.memory_space<vmem_shared>>
      %dma_start3A_72 = arith.constant 0 : i32
      %dma_start3A_73 = tpu.memref_slice %arg15[%add3A_24, %dma_start3A_72] : memref<10240x16xf32, #tpu.memory_space<vmem_shared>> -> memref<64x16xf32, #tpu.memory_space<vmem_shared>>
      tpu.enqueue_dma source(%arg13 : memref<64x16xf32, #tpu.memory_space<vmem>>) target(%dma_start3A_73 : memref<64x16xf32, #tpu.memory_space<vmem_shared>>) target_semaphore(%run_scoped3A : memref<!tpu.dma_semaphore, #tpu.memory_space<semaphore_mem>>)
      %dma_wait3A = arith.constant 0 : i32
      %dma_wait3A_74 = tpu.memref_slice %arg15[%add3A_24, %dma_wait3A] : memref<10240x16xf32, #tpu.memory_space<vmem_shared>> -> memref<64x16xf32, #tpu.memory_space<vmem_shared>>
      %dma_wait3A_75 = arith.constant 0 : i32
      %dma_wait3A_76 = tpu.memref_slice %arg15[%add3A_24, %dma_wait3A_75] : memref<10240x16xf32, #tpu.memory_space<vmem_shared>> -> memref<64x16xf32, #tpu.memory_space<vmem_shared>>
      tpu.wait_dma2 semaphore(%run_scoped3A : memref<!tpu.dma_semaphore, #tpu.memory_space<semaphore_mem>>) src(%arg13 : memref<64x16xf32, #tpu.memory_space<vmem>>) dst(%dma_wait3A_76 : memref<64x16xf32, #tpu.memory_space<vmem_shared>>)
      tpu.yield
    }) : () -> ()
    %add3A_25 = arith.constant 256 : i32
    %add3A_26 = arith.addi %mul3A_0, %add3A_25 : i32
    "tpu.region"() ({
      %run_scoped3A = tpu.sem_alloc : memref<!tpu.dma_semaphore, #tpu.memory_space<semaphore_mem>>
      %dma_start3A = arith.constant 0 : i32
      %dma_start3A_71 = tpu.memref_slice %arg14[%add3A_26, %dma_start3A] : memref<10240x64xf32, #tpu.memory_space<vmem_shared>> -> memref<64x64xf32, #tpu.memory_space<vmem_shared>>
      %dma_start3A_72 = arith.constant 0 : i32
      %dma_start3A_73 = tpu.memref_slice %arg14[%add3A_26, %dma_start3A_72] : memref<10240x64xf32, #tpu.memory_space<vmem_shared>> -> memref<64x64xf32, #tpu.memory_space<vmem_shared>>
      tpu.enqueue_dma source(%arg10 : memref<64x64xf32, #tpu.memory_space<vmem>>) target(%dma_start3A_73 : memref<64x64xf32, #tpu.memory_space<vmem_shared>>) target_semaphore(%run_scoped3A : memref<!tpu.dma_semaphore, #tpu.memory_space<semaphore_mem>>)
      %dma_wait3A = arith.constant 0 : i32
      %dma_wait3A_74 = tpu.memref_slice %arg14[%add3A_26, %dma_wait3A] : memref<10240x64xf32, #tpu.memory_space<vmem_shared>> -> memref<64x64xf32, #tpu.memory_space<vmem_shared>>
      %dma_wait3A_75 = arith.constant 0 : i32
      %dma_wait3A_76 = tpu.memref_slice %arg14[%add3A_26, %dma_wait3A_75] : memref<10240x64xf32, #tpu.memory_space<vmem_shared>> -> memref<64x64xf32, #tpu.memory_space<vmem_shared>>
      tpu.wait_dma2 semaphore(%run_scoped3A : memref<!tpu.dma_semaphore, #tpu.memory_space<semaphore_mem>>) src(%arg10 : memref<64x64xf32, #tpu.memory_space<vmem>>) dst(%dma_wait3A_76 : memref<64x64xf32, #tpu.memory_space<vmem_shared>>)
      tpu.yield
    }) : () -> ()
    %add3A_27 = arith.constant 256 : i32
    %add3A_28 = arith.addi %mul3A_0, %add3A_27 : i32
    "tpu.region"() ({
      %run_scoped3A = tpu.sem_alloc : memref<!tpu.dma_semaphore, #tpu.memory_space<semaphore_mem>>
      %dma_start3A = arith.constant 0 : i32
      %dma_start3A_71 = tpu.memref_slice %arg15[%add3A_28, %dma_start3A] : memref<10240x16xf32, #tpu.memory_space<vmem_shared>> -> memref<64x16xf32, #tpu.memory_space<vmem_shared>>
      %dma_start3A_72 = arith.constant 0 : i32
      %dma_start3A_73 = tpu.memref_slice %arg15[%add3A_28, %dma_start3A_72] : memref<10240x16xf32, #tpu.memory_space<vmem_shared>> -> memref<64x16xf32, #tpu.memory_space<vmem_shared>>
      tpu.enqueue_dma source(%arg13 : memref<64x16xf32, #tpu.memory_space<vmem>>) target(%dma_start3A_73 : memref<64x16xf32, #tpu.memory_space<vmem_shared>>) target_semaphore(%run_scoped3A : memref<!tpu.dma_semaphore, #tpu.memory_space<semaphore_mem>>)
      %dma_wait3A = arith.constant 0 : i32
      %dma_wait3A_74 = tpu.memref_slice %arg15[%add3A_28, %dma_wait3A] : memref<10240x16xf32, #tpu.memory_space<vmem_shared>> -> memref<64x16xf32, #tpu.memory_space<vmem_shared>>
      %dma_wait3A_75 = arith.constant 0 : i32
      %dma_wait3A_76 = tpu.memref_slice %arg15[%add3A_28, %dma_wait3A_75] : memref<10240x16xf32, #tpu.memory_space<vmem_shared>> -> memref<64x16xf32, #tpu.memory_space<vmem_shared>>
      tpu.wait_dma2 semaphore(%run_scoped3A : memref<!tpu.dma_semaphore, #tpu.memory_space<semaphore_mem>>) src(%arg13 : memref<64x16xf32, #tpu.memory_space<vmem>>) dst(%dma_wait3A_76 : memref<64x16xf32, #tpu.memory_space<vmem_shared>>)
      tpu.yield
    }) : () -> ()
    %add3A_29 = arith.constant 320 : i32
    %add3A_30 = arith.addi %mul3A_0, %add3A_29 : i32
    "tpu.region"() ({
      %run_scoped3A = tpu.sem_alloc : memref<!tpu.dma_semaphore, #tpu.memory_space<semaphore_mem>>
      %dma_start3A = arith.constant 0 : i32
      %dma_start3A_71 = tpu.memref_slice %arg14[%add3A_30, %dma_start3A] : memref<10240x64xf32, #tpu.memory_space<vmem_shared>> -> memref<64x64xf32, #tpu.memory_space<vmem_shared>>
      %dma_start3A_72 = arith.constant 0 : i32
      %dma_start3A_73 = tpu.memref_slice %arg14[%add3A_30, %dma_start3A_72] : memref<10240x64xf32, #tpu.memory_space<vmem_shared>> -> memref<64x64xf32, #tpu.memory_space<vmem_shared>>
      tpu.enqueue_dma source(%arg10 : memref<64x64xf32, #tpu.memory_space<vmem>>) target(%dma_start3A_73 : memref<64x64xf32, #tpu.memory_space<vmem_shared>>) target_semaphore(%run_scoped3A : memref<!tpu.dma_semaphore, #tpu.memory_space<semaphore_mem>>)
      %dma_wait3A = arith.constant 0 : i32
      %dma_wait3A_74 = tpu.memref_slice %arg14[%add3A_30, %dma_wait3A] : memref<10240x64xf32, #tpu.memory_space<vmem_shared>> -> memref<64x64xf32, #tpu.memory_space<vmem_shared>>
      %dma_wait3A_75 = arith.constant 0 : i32
      %dma_wait3A_76 = tpu.memref_slice %arg14[%add3A_30, %dma_wait3A_75] : memref<10240x64xf32, #tpu.memory_space<vmem_shared>> -> memref<64x64xf32, #tpu.memory_space<vmem_shared>>
      tpu.wait_dma2 semaphore(%run_scoped3A : memref<!tpu.dma_semaphore, #tpu.memory_space<semaphore_mem>>) src(%arg10 : memref<64x64xf32, #tpu.memory_space<vmem>>) dst(%dma_wait3A_76 : memref<64x64xf32, #tpu.memory_space<vmem_shared>>)
      tpu.yield
    }) : () -> ()
    %add3A_31 = arith.constant 320 : i32
    %add3A_32 = arith.addi %mul3A_0, %add3A_31 : i32
    "tpu.region"() ({
      %run_scoped3A = tpu.sem_alloc : memref<!tpu.dma_semaphore, #tpu.memory_space<semaphore_mem>>
      %dma_start3A = arith.constant 0 : i32
      %dma_start3A_71 = tpu.memref_slice %arg15[%add3A_32, %dma_start3A] : memref<10240x16xf32, #tpu.memory_space<vmem_shared>> -> memref<64x16xf32, #tpu.memory_space<vmem_shared>>
      %dma_start3A_72 = arith.constant 0 : i32
      %dma_start3A_73 = tpu.memref_slice %arg15[%add3A_32, %dma_start3A_72] : memref<10240x16xf32, #tpu.memory_space<vmem_shared>> -> memref<64x16xf32, #tpu.memory_space<vmem_shared>>
      tpu.enqueue_dma source(%arg13 : memref<64x16xf32, #tpu.memory_space<vmem>>) target(%dma_start3A_73 : memref<64x16xf32, #tpu.memory_space<vmem_shared>>) target_semaphore(%run_scoped3A : memref<!tpu.dma_semaphore, #tpu.memory_space<semaphore_mem>>)
      %dma_wait3A = arith.constant 0 : i32
      %dma_wait3A_74 = tpu.memref_slice %arg15[%add3A_32, %dma_wait3A] : memref<10240x16xf32, #tpu.memory_space<vmem_shared>> -> memref<64x16xf32, #tpu.memory_space<vmem_shared>>
      %dma_wait3A_75 = arith.constant 0 : i32
      %dma_wait3A_76 = tpu.memref_slice %arg15[%add3A_32, %dma_wait3A_75] : memref<10240x16xf32, #tpu.memory_space<vmem_shared>> -> memref<64x16xf32, #tpu.memory_space<vmem_shared>>
      tpu.wait_dma2 semaphore(%run_scoped3A : memref<!tpu.dma_semaphore, #tpu.memory_space<semaphore_mem>>) src(%arg13 : memref<64x16xf32, #tpu.memory_space<vmem>>) dst(%dma_wait3A_76 : memref<64x16xf32, #tpu.memory_space<vmem_shared>>)
      tpu.yield
    }) : () -> ()
    %add3A_33 = arith.constant 384 : i32
    %add3A_34 = arith.addi %mul3A_0, %add3A_33 : i32
    "tpu.region"() ({
      %run_scoped3A = tpu.sem_alloc : memref<!tpu.dma_semaphore, #tpu.memory_space<semaphore_mem>>
      %dma_start3A = arith.constant 0 : i32
      %dma_start3A_71 = tpu.memref_slice %arg14[%add3A_34, %dma_start3A] : memref<10240x64xf32, #tpu.memory_space<vmem_shared>> -> memref<64x64xf32, #tpu.memory_space<vmem_shared>>
      %dma_start3A_72 = arith.constant 0 : i32
      %dma_start3A_73 = tpu.memref_slice %arg14[%add3A_34, %dma_start3A_72] : memref<10240x64xf32, #tpu.memory_space<vmem_shared>> -> memref<64x64xf32, #tpu.memory_space<vmem_shared>>
      tpu.enqueue_dma source(%arg10 : memref<64x64xf32, #tpu.memory_space<vmem>>) target(%dma_start3A_73 : memref<64x64xf32, #tpu.memory_space<vmem_shared>>) target_semaphore(%run_scoped3A : memref<!tpu.dma_semaphore, #tpu.memory_space<semaphore_mem>>)
      %dma_wait3A = arith.constant 0 : i32
      %dma_wait3A_74 = tpu.memref_slice %arg14[%add3A_34, %dma_wait3A] : memref<10240x64xf32, #tpu.memory_space<vmem_shared>> -> memref<64x64xf32, #tpu.memory_space<vmem_shared>>
      %dma_wait3A_75 = arith.constant 0 : i32
      %dma_wait3A_76 = tpu.memref_slice %arg14[%add3A_34, %dma_wait3A_75] : memref<10240x64xf32, #tpu.memory_space<vmem_shared>> -> memref<64x64xf32, #tpu.memory_space<vmem_shared>>
      tpu.wait_dma2 semaphore(%run_scoped3A : memref<!tpu.dma_semaphore, #tpu.memory_space<semaphore_mem>>) src(%arg10 : memref<64x64xf32, #tpu.memory_space<vmem>>) dst(%dma_wait3A_76 : memref<64x64xf32, #tpu.memory_space<vmem_shared>>)
      tpu.yield
    }) : () -> ()
    %add3A_35 = arith.constant 384 : i32
    %add3A_36 = arith.addi %mul3A_0, %add3A_35 : i32
    "tpu.region"() ({
      %run_scoped3A = tpu.sem_alloc : memref<!tpu.dma_semaphore, #tpu.memory_space<semaphore_mem>>
      %dma_start3A = arith.constant 0 : i32
      %dma_start3A_71 = tpu.memref_slice %arg15[%add3A_36, %dma_start3A] : memref<10240x16xf32, #tpu.memory_space<vmem_shared>> -> memref<64x16xf32, #tpu.memory_space<vmem_shared>>
      %dma_start3A_72 = arith.constant 0 : i32
      %dma_start3A_73 = tpu.memref_slice %arg15[%add3A_36, %dma_start3A_72] : memref<10240x16xf32, #tpu.memory_space<vmem_shared>> -> memref<64x16xf32, #tpu.memory_space<vmem_shared>>
      tpu.enqueue_dma source(%arg13 : memref<64x16xf32, #tpu.memory_space<vmem>>) target(%dma_start3A_73 : memref<64x16xf32, #tpu.memory_space<vmem_shared>>) target_semaphore(%run_scoped3A : memref<!tpu.dma_semaphore, #tpu.memory_space<semaphore_mem>>)
      %dma_wait3A = arith.constant 0 : i32
      %dma_wait3A_74 = tpu.memref_slice %arg15[%add3A_36, %dma_wait3A] : memref<10240x16xf32, #tpu.memory_space<vmem_shared>> -> memref<64x16xf32, #tpu.memory_space<vmem_shared>>
      %dma_wait3A_75 = arith.constant 0 : i32
      %dma_wait3A_76 = tpu.memref_slice %arg15[%add3A_36, %dma_wait3A_75] : memref<10240x16xf32, #tpu.memory_space<vmem_shared>> -> memref<64x16xf32, #tpu.memory_space<vmem_shared>>
      tpu.wait_dma2 semaphore(%run_scoped3A : memref<!tpu.dma_semaphore, #tpu.memory_space<semaphore_mem>>) src(%arg13 : memref<64x16xf32, #tpu.memory_space<vmem>>) dst(%dma_wait3A_76 : memref<64x16xf32, #tpu.memory_space<vmem_shared>>)
      tpu.yield
    }) : () -> ()
    %add3A_37 = arith.constant 448 : i32
    %add3A_38 = arith.addi %mul3A_0, %add3A_37 : i32
    "tpu.region"() ({
      %run_scoped3A = tpu.sem_alloc : memref<!tpu.dma_semaphore, #tpu.memory_space<semaphore_mem>>
      %dma_start3A = arith.constant 0 : i32
      %dma_start3A_71 = tpu.memref_slice %arg14[%add3A_38, %dma_start3A] : memref<10240x64xf32, #tpu.memory_space<vmem_shared>> -> memref<64x64xf32, #tpu.memory_space<vmem_shared>>
      %dma_start3A_72 = arith.constant 0 : i32
      %dma_start3A_73 = tpu.memref_slice %arg14[%add3A_38, %dma_start3A_72] : memref<10240x64xf32, #tpu.memory_space<vmem_shared>> -> memref<64x64xf32, #tpu.memory_space<vmem_shared>>
      tpu.enqueue_dma source(%arg10 : memref<64x64xf32, #tpu.memory_space<vmem>>) target(%dma_start3A_73 : memref<64x64xf32, #tpu.memory_space<vmem_shared>>) target_semaphore(%run_scoped3A : memref<!tpu.dma_semaphore, #tpu.memory_space<semaphore_mem>>)
      %dma_wait3A = arith.constant 0 : i32
      %dma_wait3A_74 = tpu.memref_slice %arg14[%add3A_38, %dma_wait3A] : memref<10240x64xf32, #tpu.memory_space<vmem_shared>> -> memref<64x64xf32, #tpu.memory_space<vmem_shared>>
      %dma_wait3A_75 = arith.constant 0 : i32
      %dma_wait3A_76 = tpu.memref_slice %arg14[%add3A_38, %dma_wait3A_75] : memref<10240x64xf32, #tpu.memory_space<vmem_shared>> -> memref<64x64xf32, #tpu.memory_space<vmem_shared>>
      tpu.wait_dma2 semaphore(%run_scoped3A : memref<!tpu.dma_semaphore, #tpu.memory_space<semaphore_mem>>) src(%arg10 : memref<64x64xf32, #tpu.memory_space<vmem>>) dst(%dma_wait3A_76 : memref<64x64xf32, #tpu.memory_space<vmem_shared>>)
      tpu.yield
    }) : () -> ()
    %add3A_39 = arith.constant 448 : i32
    %add3A_40 = arith.addi %mul3A_0, %add3A_39 : i32
    "tpu.region"() ({
      %run_scoped3A = tpu.sem_alloc : memref<!tpu.dma_semaphore, #tpu.memory_space<semaphore_mem>>
      %dma_start3A = arith.constant 0 : i32
      %dma_start3A_71 = tpu.memref_slice %arg15[%add3A_40, %dma_start3A] : memref<10240x16xf32, #tpu.memory_space<vmem_shared>> -> memref<64x16xf32, #tpu.memory_space<vmem_shared>>
      %dma_start3A_72 = arith.constant 0 : i32
      %dma_start3A_73 = tpu.memref_slice %arg15[%add3A_40, %dma_start3A_72] : memref<10240x16xf32, #tpu.memory_space<vmem_shared>> -> memref<64x16xf32, #tpu.memory_space<vmem_shared>>
      tpu.enqueue_dma source(%arg13 : memref<64x16xf32, #tpu.memory_space<vmem>>) target(%dma_start3A_73 : memref<64x16xf32, #tpu.memory_space<vmem_shared>>) target_semaphore(%run_scoped3A : memref<!tpu.dma_semaphore, #tpu.memory_space<semaphore_mem>>)
      %dma_wait3A = arith.constant 0 : i32
      %dma_wait3A_74 = tpu.memref_slice %arg15[%add3A_40, %dma_wait3A] : memref<10240x16xf32, #tpu.memory_space<vmem_shared>> -> memref<64x16xf32, #tpu.memory_space<vmem_shared>>
      %dma_wait3A_75 = arith.constant 0 : i32
      %dma_wait3A_76 = tpu.memref_slice %arg15[%add3A_40, %dma_wait3A_75] : memref<10240x16xf32, #tpu.memory_space<vmem_shared>> -> memref<64x16xf32, #tpu.memory_space<vmem_shared>>
      tpu.wait_dma2 semaphore(%run_scoped3A : memref<!tpu.dma_semaphore, #tpu.memory_space<semaphore_mem>>) src(%arg13 : memref<64x16xf32, #tpu.memory_space<vmem>>) dst(%dma_wait3A_76 : memref<64x16xf32, #tpu.memory_space<vmem_shared>>)
      tpu.yield
    }) : () -> ()
    %add3A_41 = arith.constant 512 : i32
    %add3A_42 = arith.addi %mul3A_0, %add3A_41 : i32
    "tpu.region"() ({
      %run_scoped3A = tpu.sem_alloc : memref<!tpu.dma_semaphore, #tpu.memory_space<semaphore_mem>>
      %dma_start3A = arith.constant 0 : i32
      %dma_start3A_71 = tpu.memref_slice %arg14[%add3A_42, %dma_start3A] : memref<10240x64xf32, #tpu.memory_space<vmem_shared>> -> memref<64x64xf32, #tpu.memory_space<vmem_shared>>
      %dma_start3A_72 = arith.constant 0 : i32
      %dma_start3A_73 = tpu.memref_slice %arg14[%add3A_42, %dma_start3A_72] : memref<10240x64xf32, #tpu.memory_space<vmem_shared>> -> memref<64x64xf32, #tpu.memory_space<vmem_shared>>
      tpu.enqueue_dma source(%arg10 : memref<64x64xf32, #tpu.memory_space<vmem>>) target(%dma_start3A_73 : memref<64x64xf32, #tpu.memory_space<vmem_shared>>) target_semaphore(%run_scoped3A : memref<!tpu.dma_semaphore, #tpu.memory_space<semaphore_mem>>)
      %dma_wait3A = arith.constant 0 : i32
      %dma_wait3A_74 = tpu.memref_slice %arg14[%add3A_42, %dma_wait3A] : memref<10240x64xf32, #tpu.memory_space<vmem_shared>> -> memref<64x64xf32, #tpu.memory_space<vmem_shared>>
      %dma_wait3A_75 = arith.constant 0 : i32
      %dma_wait3A_76 = tpu.memref_slice %arg14[%add3A_42, %dma_wait3A_75] : memref<10240x64xf32, #tpu.memory_space<vmem_shared>> -> memref<64x64xf32, #tpu.memory_space<vmem_shared>>
      tpu.wait_dma2 semaphore(%run_scoped3A : memref<!tpu.dma_semaphore, #tpu.memory_space<semaphore_mem>>) src(%arg10 : memref<64x64xf32, #tpu.memory_space<vmem>>) dst(%dma_wait3A_76 : memref<64x64xf32, #tpu.memory_space<vmem_shared>>)
      tpu.yield
    }) : () -> ()
    %add3A_43 = arith.constant 512 : i32
    %add3A_44 = arith.addi %mul3A_0, %add3A_43 : i32
    "tpu.region"() ({
      %run_scoped3A = tpu.sem_alloc : memref<!tpu.dma_semaphore, #tpu.memory_space<semaphore_mem>>
      %dma_start3A = arith.constant 0 : i32
      %dma_start3A_71 = tpu.memref_slice %arg15[%add3A_44, %dma_start3A] : memref<10240x16xf32, #tpu.memory_space<vmem_shared>> -> memref<64x16xf32, #tpu.memory_space<vmem_shared>>
      %dma_start3A_72 = arith.constant 0 : i32
      %dma_start3A_73 = tpu.memref_slice %arg15[%add3A_44, %dma_start3A_72] : memref<10240x16xf32, #tpu.memory_space<vmem_shared>> -> memref<64x16xf32, #tpu.memory_space<vmem_shared>>
      tpu.enqueue_dma source(%arg13 : memref<64x16xf32, #tpu.memory_space<vmem>>) target(%dma_start3A_73 : memref<64x16xf32, #tpu.memory_space<vmem_shared>>) target_semaphore(%run_scoped3A : memref<!tpu.dma_semaphore, #tpu.memory_space<semaphore_mem>>)
      %dma_wait3A = arith.constant 0 : i32
      %dma_wait3A_74 = tpu.memref_slice %arg15[%add3A_44, %dma_wait3A] : memref<10240x16xf32, #tpu.memory_space<vmem_shared>> -> memref<64x16xf32, #tpu.memory_space<vmem_shared>>
      %dma_wait3A_75 = arith.constant 0 : i32
      %dma_wait3A_76 = tpu.memref_slice %arg15[%add3A_44, %dma_wait3A_75] : memref<10240x16xf32, #tpu.memory_space<vmem_shared>> -> memref<64x16xf32, #tpu.memory_space<vmem_shared>>
      tpu.wait_dma2 semaphore(%run_scoped3A : memref<!tpu.dma_semaphore, #tpu.memory_space<semaphore_mem>>) src(%arg13 : memref<64x16xf32, #tpu.memory_space<vmem>>) dst(%dma_wait3A_76 : memref<64x16xf32, #tpu.memory_space<vmem_shared>>)
      tpu.yield
    }) : () -> ()
    %add3A_45 = arith.constant 576 : i32
    %add3A_46 = arith.addi %mul3A_0, %add3A_45 : i32
    "tpu.region"() ({
      %run_scoped3A = tpu.sem_alloc : memref<!tpu.dma_semaphore, #tpu.memory_space<semaphore_mem>>
      %dma_start3A = arith.constant 0 : i32
      %dma_start3A_71 = tpu.memref_slice %arg14[%add3A_46, %dma_start3A] : memref<10240x64xf32, #tpu.memory_space<vmem_shared>> -> memref<64x64xf32, #tpu.memory_space<vmem_shared>>
      %dma_start3A_72 = arith.constant 0 : i32
      %dma_start3A_73 = tpu.memref_slice %arg14[%add3A_46, %dma_start3A_72] : memref<10240x64xf32, #tpu.memory_space<vmem_shared>> -> memref<64x64xf32, #tpu.memory_space<vmem_shared>>
      tpu.enqueue_dma source(%arg10 : memref<64x64xf32, #tpu.memory_space<vmem>>) target(%dma_start3A_73 : memref<64x64xf32, #tpu.memory_space<vmem_shared>>) target_semaphore(%run_scoped3A : memref<!tpu.dma_semaphore, #tpu.memory_space<semaphore_mem>>)
      %dma_wait3A = arith.constant 0 : i32
      %dma_wait3A_74 = tpu.memref_slice %arg14[%add3A_46, %dma_wait3A] : memref<10240x64xf32, #tpu.memory_space<vmem_shared>> -> memref<64x64xf32, #tpu.memory_space<vmem_shared>>
      %dma_wait3A_75 = arith.constant 0 : i32
      %dma_wait3A_76 = tpu.memref_slice %arg14[%add3A_46, %dma_wait3A_75] : memref<10240x64xf32, #tpu.memory_space<vmem_shared>> -> memref<64x64xf32, #tpu.memory_space<vmem_shared>>
      tpu.wait_dma2 semaphore(%run_scoped3A : memref<!tpu.dma_semaphore, #tpu.memory_space<semaphore_mem>>) src(%arg10 : memref<64x64xf32, #tpu.memory_space<vmem>>) dst(%dma_wait3A_76 : memref<64x64xf32, #tpu.memory_space<vmem_shared>>)
      tpu.yield
    }) : () -> ()
    %add3A_47 = arith.constant 576 : i32
    %add3A_48 = arith.addi %mul3A_0, %add3A_47 : i32
    "tpu.region"() ({
      %run_scoped3A = tpu.sem_alloc : memref<!tpu.dma_semaphore, #tpu.memory_space<semaphore_mem>>
      %dma_start3A = arith.constant 0 : i32
      %dma_start3A_71 = tpu.memref_slice %arg15[%add3A_48, %dma_start3A] : memref<10240x16xf32, #tpu.memory_space<vmem_shared>> -> memref<64x16xf32, #tpu.memory_space<vmem_shared>>
      %dma_start3A_72 = arith.constant 0 : i32
      %dma_start3A_73 = tpu.memref_slice %arg15[%add3A_48, %dma_start3A_72] : memref<10240x16xf32, #tpu.memory_space<vmem_shared>> -> memref<64x16xf32, #tpu.memory_space<vmem_shared>>
      tpu.enqueue_dma source(%arg13 : memref<64x16xf32, #tpu.memory_space<vmem>>) target(%dma_start3A_73 : memref<64x16xf32, #tpu.memory_space<vmem_shared>>) target_semaphore(%run_scoped3A : memref<!tpu.dma_semaphore, #tpu.memory_space<semaphore_mem>>)
      %dma_wait3A = arith.constant 0 : i32
      %dma_wait3A_74 = tpu.memref_slice %arg15[%add3A_48, %dma_wait3A] : memref<10240x16xf32, #tpu.memory_space<vmem_shared>> -> memref<64x16xf32, #tpu.memory_space<vmem_shared>>
      %dma_wait3A_75 = arith.constant 0 : i32
      %dma_wait3A_76 = tpu.memref_slice %arg15[%add3A_48, %dma_wait3A_75] : memref<10240x16xf32, #tpu.memory_space<vmem_shared>> -> memref<64x16xf32, #tpu.memory_space<vmem_shared>>
      tpu.wait_dma2 semaphore(%run_scoped3A : memref<!tpu.dma_semaphore, #tpu.memory_space<semaphore_mem>>) src(%arg13 : memref<64x16xf32, #tpu.memory_space<vmem>>) dst(%dma_wait3A_76 : memref<64x16xf32, #tpu.memory_space<vmem_shared>>)
      tpu.yield
    }) : () -> ()
    %barrier3A = arith.constant 0 : index
    tpu.barrier barrier_id(%barrier3A)
    %scan3A_49 = arith.constant 0 : i32
    %mul3A_50 = arith.constant 1 : i32
    %mul3A_51 = arith.muli %scan3A_49, %mul3A_50 : i32
    %add3A_52 = arith.constant 0 : i32
    %add3A_53 = arith.addi %add3A_52, %mul3A_51 : i32
    "tpu.region"() ({
      %run_scoped3A = tpu.sem_alloc : memref<!tpu.dma_semaphore, #tpu.memory_space<semaphore_mem>>
      %dma_start3A = arith.constant 0 : i32
      %dma_start3A_71 = arith.constant 0 : i32
      %dma_start3A_72 = tpu.memref_slice %arg3[%arg1, %add3A_53, %dma_start3A, %dma_start3A_71] : memref<16x1x250x80xi32, #tpu.memory_space<hbm>> -> memref<1x1x250x80xi32, #tpu.memory_space<hbm>>
      %dma_start3A_73 = tpu.memref_squeeze %dma_start3A_72 : memref<1x1x250x80xi32, #tpu.memory_space<hbm>> -> memref<250x80xi32, #tpu.memory_space<hbm>>
      %dma_start3A_74 = arith.constant 0 : i32
      %dma_start3A_75 = arith.constant 0 : i32
      %dma_start3A_76 = tpu.memref_slice %arg3[%arg1, %add3A_53, %dma_start3A_74, %dma_start3A_75] : memref<16x1x250x80xi32, #tpu.memory_space<hbm>> -> memref<1x1x250x80xi32, #tpu.memory_space<hbm>>
      %dma_start3A_77 = tpu.memref_squeeze %dma_start3A_76 : memref<1x1x250x80xi32, #tpu.memory_space<hbm>> -> memref<250x80xi32, #tpu.memory_space<hbm>>
      tpu.enqueue_dma source(%dma_start3A_77 : memref<250x80xi32, #tpu.memory_space<hbm>>) target(%arg7 : memref<250x80xi32, #tpu.memory_space<vmem>>) target_semaphore(%run_scoped3A : memref<!tpu.dma_semaphore, #tpu.memory_space<semaphore_mem>>)
      %dma_wait3A = arith.constant 0 : i32
      %dma_wait3A_78 = arith.constant 0 : i32
      %dma_wait3A_79 = tpu.memref_slice %arg3[%arg1, %add3A_53, %dma_wait3A, %dma_wait3A_78] : memref<16x1x250x80xi32, #tpu.memory_space<hbm>> -> memref<1x1x250x80xi32, #tpu.memory_space<hbm>>
      %dma_wait3A_80 = tpu.memref_squeeze %dma_wait3A_79 : memref<1x1x250x80xi32, #tpu.memory_space<hbm>> -> memref<250x80xi32, #tpu.memory_space<hbm>>
      %dma_wait3A_81 = arith.constant 0 : i32
      %dma_wait3A_82 = arith.constant 0 : i32
      %dma_wait3A_83 = tpu.memref_slice %arg3[%arg1, %add3A_53, %dma_wait3A_81, %dma_wait3A_82] : memref<16x1x250x80xi32, #tpu.memory_space<hbm>> -> memref<1x1x250x80xi32, #tpu.memory_space<hbm>>
      %dma_wait3A_84 = tpu.memref_squeeze %dma_wait3A_83 : memref<1x1x250x80xi32, #tpu.memory_space<hbm>> -> memref<250x80xi32, #tpu.memory_space<hbm>>
      tpu.wait_dma2 semaphore(%run_scoped3A : memref<!tpu.dma_semaphore, #tpu.memory_space<semaphore_mem>>) src(%dma_wait3A_84 : memref<250x80xi32, #tpu.memory_space<hbm>>) dst(%arg7 : memref<250x80xi32, #tpu.memory_space<vmem>>)
      tpu.yield
    }) : () -> ()
    "tpu.region"() ({
      %run_scoped3A = tpu.sem_alloc : memref<!tpu.dma_semaphore, #tpu.memory_space<semaphore_mem>>
      %dma_start3A = arith.constant 0 : i32
      %dma_start3A_71 = arith.constant 0 : i32
      %dma_start3A_72 = tpu.memref_slice %arg4[%arg1, %add3A_53, %dma_start3A, %dma_start3A_71] : memref<16x1x250x80xi32, #tpu.memory_space<hbm>> -> memref<1x1x250x80xi32, #tpu.memory_space<hbm>>
      %dma_start3A_73 = tpu.memref_squeeze %dma_start3A_72 : memref<1x1x250x80xi32, #tpu.memory_space<hbm>> -> memref<250x80xi32, #tpu.memory_space<hbm>>
      %dma_start3A_74 = arith.constant 0 : i32
      %dma_start3A_75 = arith.constant 0 : i32
      %dma_start3A_76 = tpu.memref_slice %arg4[%arg1, %add3A_53, %dma_start3A_74, %dma_start3A_75] : memref<16x1x250x80xi32, #tpu.memory_space<hbm>> -> memref<1x1x250x80xi32, #tpu.memory_space<hbm>>
      %dma_start3A_77 = tpu.memref_squeeze %dma_start3A_76 : memref<1x1x250x80xi32, #tpu.memory_space<hbm>> -> memref<250x80xi32, #tpu.memory_space<hbm>>
      tpu.enqueue_dma source(%dma_start3A_77 : memref<250x80xi32, #tpu.memory_space<hbm>>) target(%arg8 : memref<250x80xi32, #tpu.memory_space<vmem>>) target_semaphore(%run_scoped3A : memref<!tpu.dma_semaphore, #tpu.memory_space<semaphore_mem>>)
      %dma_wait3A = arith.constant 0 : i32
      %dma_wait3A_78 = arith.constant 0 : i32
      %dma_wait3A_79 = tpu.memref_slice %arg4[%arg1, %add3A_53, %dma_wait3A, %dma_wait3A_78] : memref<16x1x250x80xi32, #tpu.memory_space<hbm>> -> memref<1x1x250x80xi32, #tpu.memory_space<hbm>>
      %dma_wait3A_80 = tpu.memref_squeeze %dma_wait3A_79 : memref<1x1x250x80xi32, #tpu.memory_space<hbm>> -> memref<250x80xi32, #tpu.memory_space<hbm>>
      %dma_wait3A_81 = arith.constant 0 : i32
      %dma_wait3A_82 = arith.constant 0 : i32
      %dma_wait3A_83 = tpu.memref_slice %arg4[%arg1, %add3A_53, %dma_wait3A_81, %dma_wait3A_82] : memref<16x1x250x80xi32, #tpu.memory_space<hbm>> -> memref<1x1x250x80xi32, #tpu.memory_space<hbm>>
      %dma_wait3A_84 = tpu.memref_squeeze %dma_wait3A_83 : memref<1x1x250x80xi32, #tpu.memory_space<hbm>> -> memref<250x80xi32, #tpu.memory_space<hbm>>
      tpu.wait_dma2 semaphore(%run_scoped3A : memref<!tpu.dma_semaphore, #tpu.memory_space<semaphore_mem>>) src(%dma_wait3A_84 : memref<250x80xi32, #tpu.memory_space<hbm>>) dst(%arg8 : memref<250x80xi32, #tpu.memory_space<vmem>>)
      tpu.yield
    }) : () -> ()
    %scan3A_54 = arith.constant 0 : i32
    %scan3A_55 = arith.constant 1250 : i32
    %scan3A_56 = arith.addi %scan3A_54, %scan3A_55 : i32
    %scan3A_57 = arith.constant 1 : i32
    scf.for %scan3A_71 = %scan3A_54 to %scan3A_56 step %scan3A_57  : i32 {
      %mul3A_72 = arith.constant 1 : i32
      %mul3A_73 = arith.muli %scan3A_71, %mul3A_72 : i32
      %add3A_74 = arith.constant 0 : i32
      %add3A_75 = arith.addi %add3A_74, %mul3A_73 : i32
      %jit3A = arith.constant 5 : i32
      %div3A = arith.divsi %add3A_75, %jit3A : i32
      %sign3A = arith.constant 0 : i32
      %sign3A_76 = arith.cmpi sgt, %add3A_75, %sign3A : i32
      %sign3A_77 = arith.extui %sign3A_76 : i1 to i32
      %sign3A_78 = arith.constant 0 : i32
      %sign3A_79 = arith.cmpi slt, %add3A_75, %sign3A_78 : i32
      %sign3A_80 = arith.extui %sign3A_79 : i1 to i32
      %sign3A_81 = arith.subi %sign3A_77, %sign3A_80 : i32
      %sign3A_82 = arith.constant 0 : i32
      %sign3A_83 = arith.cmpi sgt, %jit3A, %sign3A_82 : i32
      %sign3A_84 = arith.extui %sign3A_83 : i1 to i32
      %sign3A_85 = arith.constant 0 : i32
      %sign3A_86 = arith.cmpi slt, %jit3A, %sign3A_85 : i32
      %sign3A_87 = arith.extui %sign3A_86 : i1 to i32
      %sign3A_88 = arith.subi %sign3A_84, %sign3A_87 : i32
      %ne3A = arith.cmpi ne, %sign3A_81, %sign3A_88 : i32
      %rem3A = arith.remsi %add3A_75, %jit3A : i32
      %ne3A_89 = arith.constant 0 : i32
      %ne3A_90 = arith.cmpi ne, %rem3A, %ne3A_89 : i32
      %and3A = arith.andi %ne3A, %ne3A_90 : i1
      %sub3A = arith.constant 1 : i32
      %sub3A_91 = arith.subi %div3A, %sub3A : i32
      %select_n3A = arith.select %and3A, %sub3A_91, %div3A : i32
      %jit3A_92 = arith.constant 5 : i32
      %eq3A = arith.constant 0 : i32
      %eq3A_93 = arith.cmpi eq, %jit3A_92, %eq3A : i32
      %jit3A_94 = arith.constant 1 : i32
      %select_n3A_95 = arith.select %eq3A_93, %jit3A_94, %jit3A_92 : i32
      %rem3A_96 = arith.remsi %add3A_75, %select_n3A_95 : i32
      %ne3A_97 = arith.constant 0 : i32
      %ne3A_98 = arith.cmpi ne, %rem3A_96, %ne3A_97 : i32
      %lt3A = arith.constant 0 : i32
      %lt3A_99 = arith.cmpi slt, %rem3A_96, %lt3A : i32
      %lt3A_100 = arith.constant 0 : i32
      %lt3A_101 = arith.cmpi slt, %select_n3A_95, %lt3A_100 : i32
      %ne3A_102 = arith.xori %lt3A_99, %lt3A_101 : i1
      %and3A_103 = arith.andi %ne3A_102, %ne3A_98 : i1
      %add3A_104 = arith.addi %rem3A_96, %select_n3A_95 : i32
      %select_n3A_105 = arith.select %and3A_103, %add3A_104, %rem3A_96 : i32
      %mul3A_106 = arith.constant 16 : i32
      %mul3A_107 = arith.muli %select_n3A_105, %mul3A_106 : i32
      %get3A = arith.index_cast %select_n3A : i32 to index
      %get3A_108 = arith.index_cast %mul3A_107 : i32 to index
      %get3A_109 = tpu.vector_load %arg7[%get3A, %get3A_108] {strides = array<i32>} : memref<250x80xi32, #tpu.memory_space<vmem>>, vector<1x16xi32>,
      %get3A_110 = vector.shape_cast %get3A_109 : vector<1x16xi32> to vector<16xi32>
      %mul3A_111 = arith.constant 2 : i32
      %mul3A_112 = vector.broadcast %mul3A_111 : i32 to vector<16xi32>
      %mul3A_113 = arith.muli %get3A_110, %mul3A_112 : vector<16xi32>
      %add3A_114 = vector.broadcast %arg0 : i32 to vector<16xi32>
      %add3A_115 = arith.addi %mul3A_113, %add3A_114 : vector<16xi32>
      %mul3A_116 = arith.constant 16 : i32
      %mul3A_117 = arith.muli %select_n3A_105, %mul3A_116 : i32
      %swap3A = arith.index_cast %select_n3A : i32 to index
      %swap3A_118 = arith.index_cast %mul3A_117 : i32 to index
      %swap3A_119 = tpu.vector_load %arg7[%swap3A, %swap3A_118] {strides = array<i32>} : memref<250x80xi32, #tpu.memory_space<vmem>>, vector<1x16xi32>,
      %swap3A_120 = vector.shape_cast %swap3A_119 : vector<1x16xi32> to vector<16xi32>
      %swap3A_121 = vector.shape_cast %add3A_115 : vector<16xi32> to vector<1x16xi32>
      tpu.vector_store %arg7[%swap3A, %swap3A_118], %swap3A_121 {strides = array<i32>} : memref<250x80xi32, #tpu.memory_space<vmem>>, vector<1x16xi32>,
    }
    %scan3A_58 = arith.constant 1250 : i32
    %scan3A_59 = arith.constant 0 : i32
    %scan3A_60 = arith.constant 5 : i32
    %scan3A_61 = arith.addi %scan3A_59, %scan3A_60 : i32
    %scan3A_62 = arith.constant 1 : i32
    scf.for %scan3A_71 = %scan3A_59 to %scan3A_61 step %scan3A_62  : i32 {
      %mul3A_72 = arith.constant 1 : i32
      %mul3A_73 = arith.muli %scan3A_71, %mul3A_72 : i32
      %add3A_74 = arith.constant 0 : i32
      %add3A_75 = arith.addi %add3A_74, %mul3A_73 : i32
      %mul3A_76 = arith.constant 80 : i32
      %mul3A_77 = arith.muli %add3A_75, %mul3A_76 : i32
      %dma_start3A = arith.constant 0 : i32
      %dma_start3A_78 = tpu.memref_slice %arg9[%mul3A_77, %dma_start3A] : memref<400x64xf32, #tpu.memory_space<vmem>> -> memref<80x64xf32, #tpu.memory_space<vmem>>
      %dma_start3A_79 = arith.constant 0 : i32
      %dma_start3A_80 = tpu.memref_slice %arg7[%add3A_75, %dma_start3A_79] : memref<250x80xi32, #tpu.memory_space<vmem>> -> memref<1x80xi32, #tpu.memory_space<vmem>>
      %dma_start3A_81 = tpu.memref_squeeze %dma_start3A_80 : memref<1x80xi32, #tpu.memory_space<vmem>> -> memref<80xi32, #tpu.memory_space<vmem>>
      %dma_start3A_82 = arith.constant 0 : i32
      %dma_start3A_83 = arith.constant 0 : i32
      %dma_start3A_84 = tpu.memref_slice %arg2[%dma_start3A_82, %dma_start3A_83] : memref<20000x64xf32, #tpu.memory_space<hbm>> -> memref<20000x64xf32, #tpu.memory_space<hbm>>
      %dma_start3A_85 = tpu.memref_slice %arg11[%add3A_75] : memref<5x!tpu.dma_semaphore, #tpu.memory_space<semaphore_mem>> -> memref<1x!tpu.dma_semaphore, #tpu.memory_space<semaphore_mem>>
      %dma_start3A_86 = tpu.memref_squeeze %dma_start3A_85 : memref<1x!tpu.dma_semaphore, #tpu.memory_space<semaphore_mem>> -> memref<!tpu.dma_semaphore, #tpu.memory_space<semaphore_mem>>
      tpu.enqueue_indirect_dma source(%dma_start3A_84 : memref<20000x64xf32, #tpu.memory_space<hbm>>) target(%dma_start3A_78 : memref<80x64xf32, #tpu.memory_space<vmem>>) offsets(%dma_start3A_81 : memref<80xi32, #tpu.memory_space<vmem>>) semaphore(%dma_start3A_86 : memref<!tpu.dma_semaphore, #tpu.memory_space<semaphore_mem>>)
    }
    %scan3A_63 = arith.constant 5 : i32
    %scan3A_64 = arith.constant 0 : i32
    %scan3A_65 = arith.constant 250 : i32
    %scan3A_66 = arith.addi %scan3A_64, %scan3A_65 : i32
    %scan3A_67 = arith.constant 1 : i32
    scf.for %scan3A_71 = %scan3A_64 to %scan3A_66 step %scan3A_67  : i32 {
      %mul3A_72 = arith.constant 1 : i32
      %mul3A_73 = arith.muli %scan3A_71, %mul3A_72 : i32
      %add3A_74 = arith.constant 0 : i32
      %add3A_75 = arith.addi %add3A_74, %mul3A_73 : i32
      %jit3A = arith.constant 5 : i32
      %eq3A = arith.constant 0 : i32
      %eq3A_76 = arith.cmpi eq, %jit3A, %eq3A : i32
      %jit3A_77 = arith.constant 1 : i32
      %select_n3A = arith.select %eq3A_76, %jit3A_77, %jit3A : i32
      %rem3A = arith.remsi %add3A_75, %select_n3A : i32
      %ne3A = arith.constant 0 : i32
      %ne3A_78 = arith.cmpi ne, %rem3A, %ne3A : i32
      %lt3A = arith.constant 0 : i32
      %lt3A_79 = arith.cmpi slt, %rem3A, %lt3A : i32
      %lt3A_80 = arith.constant 0 : i32
      %lt3A_81 = arith.cmpi slt, %select_n3A, %lt3A_80 : i32
      %ne3A_82 = arith.xori %lt3A_79, %lt3A_81 : i1
      %and3A = arith.andi %ne3A_82, %ne3A_78 : i1
      %add3A_83 = arith.addi %rem3A, %select_n3A : i32
      %select_n3A_84 = arith.select %and3A, %add3A_83, %rem3A : i32
      %mul3A_85 = arith.constant 80 : i32
      %mul3A_86 = arith.muli %select_n3A_84, %mul3A_85 : i32
      %dma_wait3A = arith.constant 0 : i32
      %dma_wait3A_87 = tpu.memref_slice %arg9[%mul3A_86, %dma_wait3A] : memref<400x64xf32, #tpu.memory_space<vmem>> -> memref<80x64xf32, #tpu.memory_space<vmem>>
      %dma_wait3A_88 = arith.constant 0 : i32
      %dma_wait3A_89 = tpu.memref_slice %arg7[%add3A_75, %dma_wait3A_88] : memref<250x80xi32, #tpu.memory_space<vmem>> -> memref<1x80xi32, #tpu.memory_space<vmem>>
      %dma_wait3A_90 = tpu.memref_squeeze %dma_wait3A_89 : memref<1x80xi32, #tpu.memory_space<vmem>> -> memref<80xi32, #tpu.memory_space<vmem>>
      %dma_wait3A_91 = arith.constant 0 : i32
      %dma_wait3A_92 = arith.constant 0 : i32
      %dma_wait3A_93 = tpu.memref_slice %arg2[%dma_wait3A_91, %dma_wait3A_92] : memref<20000x64xf32, #tpu.memory_space<hbm>> -> memref<20000x64xf32, #tpu.memory_space<hbm>>
      %dma_wait3A_94 = tpu.memref_slice %arg11[%select_n3A_84] : memref<5x!tpu.dma_semaphore, #tpu.memory_space<semaphore_mem>> -> memref<1x!tpu.dma_semaphore, #tpu.memory_space<semaphore_mem>>
      %dma_wait3A_95 = tpu.memref_squeeze %dma_wait3A_94 : memref<1x!tpu.dma_semaphore, #tpu.memory_space<semaphore_mem>> -> memref<!tpu.dma_semaphore, #tpu.memory_space<semaphore_mem>>
      tpu.wait_indirect_dma semaphore(%dma_wait3A_95 : memref<!tpu.dma_semaphore, #tpu.memory_space<semaphore_mem>>) src(%dma_wait3A_93 : memref<20000x64xf32, #tpu.memory_space<hbm>>) dst(%dma_wait3A_87 : memref<80x64xf32, #tpu.memory_space<vmem>>)
      "tpu.region"() ({
        %run_scoped3A = tpu.sem_alloc : memref<!tpu.dma_semaphore, #tpu.memory_space<semaphore_mem>>
        %dma_start3A = arith.constant 0 : i32
        %dma_start3A_114 = tpu.memref_slice %arg9[%mul3A_86, %dma_start3A] : memref<400x64xf32, #tpu.memory_space<vmem>> -> memref<80x64xf32, #tpu.memory_space<vmem>>
        %dma_start3A_115 = arith.constant 0 : i32
        %dma_start3A_116 = tpu.memref_slice %arg8[%add3A_75, %dma_start3A_115] : memref<250x80xi32, #tpu.memory_space<vmem>> -> memref<1x80xi32, #tpu.memory_space<vmem>>
        %dma_start3A_117 = tpu.memref_squeeze %dma_start3A_116 : memref<1x80xi32, #tpu.memory_space<vmem>> -> memref<80xi32, #tpu.memory_space<vmem>>
        %dma_start3A_118 = arith.constant 0 : i32
        %dma_start3A_119 = arith.constant 0 : i32
        %dma_start3A_120 = tpu.memref_slice %arg14[%dma_start3A_118, %dma_start3A_119] : memref<10240x64xf32, #tpu.memory_space<vmem_shared>> -> memref<10240x64xf32, #tpu.memory_space<vmem_shared>>
        tpu.enqueue_indirect_dma source(%dma_start3A_114 : memref<80x64xf32, #tpu.memory_space<vmem>>) target(%dma_start3A_120 : memref<10240x64xf32, #tpu.memory_space<vmem_shared>>) offsets(%dma_start3A_117 : memref<80xi32, #tpu.memory_space<vmem>>) semaphore(%run_scoped3A : memref<!tpu.dma_semaphore, #tpu.memory_space<semaphore_mem>>) {add = true}
        %dma_wait3A_121 = arith.constant 0 : i32
        %dma_wait3A_122 = tpu.memref_slice %arg9[%mul3A_86, %dma_wait3A_121] : memref<400x64xf32, #tpu.memory_space<vmem>> -> memref<80x64xf32, #tpu.memory_space<vmem>>
        %dma_wait3A_123 = arith.constant 0 : i32
        %dma_wait3A_124 = tpu.memref_slice %arg8[%add3A_75, %dma_wait3A_123] : memref<250x80xi32, #tpu.memory_space<vmem>> -> memref<1x80xi32, #tpu.memory_space<vmem>>
        %dma_wait3A_125 = tpu.memref_squeeze %dma_wait3A_124 : memref<1x80xi32, #tpu.memory_space<vmem>> -> memref<80xi32, #tpu.memory_space<vmem>>
        %dma_wait3A_126 = arith.constant 0 : i32
        %dma_wait3A_127 = arith.constant 0 : i32
        %dma_wait3A_128 = tpu.memref_slice %arg14[%dma_wait3A_126, %dma_wait3A_127] : memref<10240x64xf32, #tpu.memory_space<vmem_shared>> -> memref<10240x64xf32, #tpu.memory_space<vmem_shared>>
        tpu.wait_indirect_dma semaphore(%run_scoped3A : memref<!tpu.dma_semaphore, #tpu.memory_space<semaphore_mem>>) src(%dma_wait3A_122 : memref<80x64xf32, #tpu.memory_space<vmem>>) dst(%dma_wait3A_128 : memref<10240x64xf32, #tpu.memory_space<vmem_shared>>)
        tpu.yield
      }) : () -> ()
      %mul3A_96 = arith.constant 250 : i32
      %mul3A_97 = arith.muli %add3A_53, %mul3A_96 : i32
      %add3A_98 = arith.addi %mul3A_97, %add3A_75 : i32
      %lt3A_99 = arith.constant 125 : i32
      %lt3A_100 = arith.cmpi slt, %add3A_98, %lt3A_99 : i32
      %eq3A_101 = arith.constant 0 : i32
      %eq3A_102 = arith.cmpi eq, %arg0, %eq3A_101 : i32
      %eq3A_103 = arith.xori %lt3A_100, %eq3A_102 : i1
      %eq3A_104 = arith.constant true
      %eq3A_105 = arith.xori %eq3A_103, %eq3A_104 : i1
      %convert_element_type3A = arith.extui %eq3A_105 : i1 to i32
      %cond3A = arith.constant 0 : i32
      %cond3A_106 = arith.cmpi ne, %convert_element_type3A, %cond3A : i32
      scf.if %cond3A_106 {
        "tpu.region"() ({
          %run_scoped3A = tpu.sem_alloc : memref<!tpu.dma_semaphore, #tpu.memory_space<semaphore_mem>>
          %dma_start3A = arith.constant 0 : i32
          %dma_start3A_114 = tpu.memref_slice %arg8[%add3A_75, %dma_start3A] : memref<250x80xi32, #tpu.memory_space<vmem>> -> memref<1x80xi32, #tpu.memory_space<vmem>>
          %dma_start3A_115 = tpu.memref_squeeze %dma_start3A_114 : memref<1x80xi32, #tpu.memory_space<vmem>> -> memref<80xi32, #tpu.memory_space<vmem>>
          %dma_start3A_116 = arith.constant 0 : i32
          %dma_start3A_117 = arith.constant 0 : i32
          %dma_start3A_118 = tpu.memref_slice %arg15[%dma_start3A_116, %dma_start3A_117] : memref<10240x16xf32, #tpu.memory_space<vmem_shared>> -> memref<10240x16xf32, #tpu.memory_space<vmem_shared>>
          tpu.enqueue_indirect_dma source(%arg12 : memref<80x16xf32, #tpu.memory_space<vmem>>) target(%dma_start3A_118 : memref<10240x16xf32, #tpu.memory_space<vmem_shared>>) offsets(%dma_start3A_115 : memref<80xi32, #tpu.memory_space<vmem>>) semaphore(%run_scoped3A : memref<!tpu.dma_semaphore, #tpu.memory_space<semaphore_mem>>) {add = true}
          %dma_wait3A_119 = arith.constant 0 : i32
          %dma_wait3A_120 = tpu.memref_slice %arg8[%add3A_75, %dma_wait3A_119] : memref<250x80xi32, #tpu.memory_space<vmem>> -> memref<1x80xi32, #tpu.memory_space<vmem>>
          %dma_wait3A_121 = tpu.memref_squeeze %dma_wait3A_120 : memref<1x80xi32, #tpu.memory_space<vmem>> -> memref<80xi32, #tpu.memory_space<vmem>>
          %dma_wait3A_122 = arith.constant 0 : i32
          %dma_wait3A_123 = arith.constant 0 : i32
          %dma_wait3A_124 = tpu.memref_slice %arg15[%dma_wait3A_122, %dma_wait3A_123] : memref<10240x16xf32, #tpu.memory_space<vmem_shared>> -> memref<10240x16xf32, #tpu.memory_space<vmem_shared>>
          tpu.wait_indirect_dma semaphore(%run_scoped3A : memref<!tpu.dma_semaphore, #tpu.memory_space<semaphore_mem>>) src(%arg12 : memref<80x16xf32, #tpu.memory_space<vmem>>) dst(%dma_wait3A_124 : memref<10240x16xf32, #tpu.memory_space<vmem_shared>>)
          tpu.yield
        }) : () -> ()
      } else {
      }
      %add3A_107 = arith.constant 5 : i32
      %add3A_108 = arith.addi %add3A_75, %add3A_107 : i32
      %lt3A_109 = arith.constant 250 : i32
      %lt3A_110 = arith.cmpi slt, %add3A_108, %lt3A_109 : i32
      %convert_element_type3A_111 = arith.extui %lt3A_110 : i1 to i32
      %cond3A_112 = arith.constant 0 : i32
      %cond3A_113 = arith.cmpi ne, %convert_element_type3A_111, %cond3A_112 : i32
      scf.if %cond3A_113 {
        %dma_start3A = arith.constant 0 : i32
        %dma_start3A_114 = tpu.memref_slice %arg9[%mul3A_86, %dma_start3A] : memref<400x64xf32, #tpu.memory_space<vmem>> -> memref<80x64xf32, #tpu.memory_space<vmem>>
        %dma_start3A_115 = arith.constant 0 : i32
        %dma_start3A_116 = tpu.memref_slice %arg7[%add3A_108, %dma_start3A_115] : memref<250x80xi32, #tpu.memory_space<vmem>> -> memref<1x80xi32, #tpu.memory_space<vmem>>
        %dma_start3A_117 = tpu.memref_squeeze %dma_start3A_116 : memref<1x80xi32, #tpu.memory_space<vmem>> -> memref<80xi32, #tpu.memory_space<vmem>>
        %dma_start3A_118 = arith.constant 0 : i32
        %dma_start3A_119 = arith.constant 0 : i32
        %dma_start3A_120 = tpu.memref_slice %arg2[%dma_start3A_118, %dma_start3A_119] : memref<20000x64xf32, #tpu.memory_space<hbm>> -> memref<20000x64xf32, #tpu.memory_space<hbm>>
        %dma_start3A_121 = tpu.memref_slice %arg11[%select_n3A_84] : memref<5x!tpu.dma_semaphore, #tpu.memory_space<semaphore_mem>> -> memref<1x!tpu.dma_semaphore, #tpu.memory_space<semaphore_mem>>
        %dma_start3A_122 = tpu.memref_squeeze %dma_start3A_121 : memref<1x!tpu.dma_semaphore, #tpu.memory_space<semaphore_mem>> -> memref<!tpu.dma_semaphore, #tpu.memory_space<semaphore_mem>>
        tpu.enqueue_indirect_dma source(%dma_start3A_120 : memref<20000x64xf32, #tpu.memory_space<hbm>>) target(%dma_start3A_114 : memref<80x64xf32, #tpu.memory_space<vmem>>) offsets(%dma_start3A_117 : memref<80xi32, #tpu.memory_space<vmem>>) semaphore(%dma_start3A_122 : memref<!tpu.dma_semaphore, #tpu.memory_space<semaphore_mem>>)
      } else {
      }
    }
    %scan3A_68 = arith.constant 250 : i32
    %scan3A_69 = arith.constant 1 : i32
    %barrier3A_70 = arith.constant 0 : index
    tpu.barrier barrier_id(%barrier3A_70)
    "tpu.region"() ({
      %run_scoped3A = tpu.sem_alloc : memref<!tpu.dma_semaphore, #tpu.memory_space<semaphore_mem>>
      %dma_start3A = arith.constant 0 : i32
      %dma_start3A_71 = tpu.memref_slice %arg5[%arg0, %mul3A_0, %dma_start3A] : memref<2x10240x64xf32, #tpu.memory_space<hbm>> -> memref<1x640x64xf32, #tpu.memory_space<hbm>>
      %dma_start3A_72 = tpu.memref_squeeze %dma_start3A_71 : memref<1x640x64xf32, #tpu.memory_space<hbm>> -> memref<640x64xf32, #tpu.memory_space<hbm>>
      %dma_start3A_73 = arith.constant 0 : i32
      %dma_start3A_74 = tpu.memref_slice %arg14[%mul3A_0, %dma_start3A_73] : memref<10240x64xf32, #tpu.memory_space<vmem_shared>> -> memref<640x64xf32, #tpu.memory_space<vmem_shared>>
      tpu.enqueue_dma source(%dma_start3A_74 : memref<640x64xf32, #tpu.memory_space<vmem_shared>>) target(%dma_start3A_72 : memref<640x64xf32, #tpu.memory_space<hbm>>) target_semaphore(%run_scoped3A : memref<!tpu.dma_semaphore, #tpu.memory_space<semaphore_mem>>)
      %dma_wait3A = arith.constant 0 : i32
      %dma_wait3A_75 = tpu.memref_slice %arg5[%arg0, %mul3A_0, %dma_wait3A] : memref<2x10240x64xf32, #tpu.memory_space<hbm>> -> memref<1x640x64xf32, #tpu.memory_space<hbm>>
      %dma_wait3A_76 = tpu.memref_squeeze %dma_wait3A_75 : memref<1x640x64xf32, #tpu.memory_space<hbm>> -> memref<640x64xf32, #tpu.memory_space<hbm>>
      %dma_wait3A_77 = arith.constant 0 : i32
      %dma_wait3A_78 = tpu.memref_slice %arg14[%mul3A_0, %dma_wait3A_77] : memref<10240x64xf32, #tpu.memory_space<vmem_shared>> -> memref<640x64xf32, #tpu.memory_space<vmem_shared>>
      tpu.wait_dma2 semaphore(%run_scoped3A : memref<!tpu.dma_semaphore, #tpu.memory_space<semaphore_mem>>) src(%dma_wait3A_78 : memref<640x64xf32, #tpu.memory_space<vmem_shared>>) dst(%dma_wait3A_76 : memref<640x64xf32, #tpu.memory_space<hbm>>)
      tpu.yield
    }) : () -> ()
    "tpu.region"() ({
      %run_scoped3A = tpu.sem_alloc : memref<!tpu.dma_semaphore, #tpu.memory_space<semaphore_mem>>
      %dma_start3A = arith.constant 0 : i32
      %dma_start3A_71 = tpu.memref_slice %arg6[%arg0, %mul3A_0, %dma_start3A] : memref<2x10240x16xf32, #tpu.memory_space<hbm>> -> memref<1x640x16xf32, #tpu.memory_space<hbm>>
      %dma_start3A_72 = tpu.memref_squeeze %dma_start3A_71 : memref<1x640x16xf32, #tpu.memory_space<hbm>> -> memref<640x16xf32, #tpu.memory_space<hbm>>
      %dma_start3A_73 = arith.constant 0 : i32
      %dma_start3A_74 = tpu.memref_slice %arg15[%mul3A_0, %dma_start3A_73] : memref<10240x16xf32, #tpu.memory_space<vmem_shared>> -> memref<640x16xf32, #tpu.memory_space<vmem_shared>>
      tpu.enqueue_dma source(%dma_start3A_74 : memref<640x16xf32, #tpu.memory_space<vmem_shared>>) target(%dma_start3A_72 : memref<640x16xf32, #tpu.memory_space<hbm>>) target_semaphore(%run_scoped3A : memref<!tpu.dma_semaphore, #tpu.memory_space<semaphore_mem>>)
      %dma_wait3A = arith.constant 0 : i32
      %dma_wait3A_75 = tpu.memref_slice %arg6[%arg0, %mul3A_0, %dma_wait3A] : memref<2x10240x16xf32, #tpu.memory_space<hbm>> -> memref<1x640x16xf32, #tpu.memory_space<hbm>>
      %dma_wait3A_76 = tpu.memref_squeeze %dma_wait3A_75 : memref<1x640x16xf32, #tpu.memory_space<hbm>> -> memref<640x16xf32, #tpu.memory_space<hbm>>
      %dma_wait3A_77 = arith.constant 0 : i32
      %dma_wait3A_78 = tpu.memref_slice %arg15[%mul3A_0, %dma_wait3A_77] : memref<10240x16xf32, #tpu.memory_space<vmem_shared>> -> memref<640x16xf32, #tpu.memory_space<vmem_shared>>
      tpu.wait_dma2 semaphore(%run_scoped3A : memref<!tpu.dma_semaphore, #tpu.memory_space<semaphore_mem>>) src(%dma_wait3A_78 : memref<640x16xf32, #tpu.memory_space<vmem_shared>>) dst(%dma_wait3A_76 : memref<640x16xf32, #tpu.memory_space<hbm>>)
      tpu.yield
    }) : () -> ()
    return
  }
}

module attributes {stable_mosaic.version = 14 : i64} {
  func.func @_tc_self_body(%arg0: i32, %arg1: memref<400x128xf32, #tpu.memory_space<vmem>>, %arg2: memref<128x128xf32, #tpu.memory_space<vmem>>, %arg3: memref<1x128xf32, #tpu.memory_space<vmem>>, %arg4: memref<1x128xf32, #tpu.memory_space<vmem>>, %arg5: memref<400x128xf32, #tpu.memory_space<vmem>>) attributes {dimension_semantics = [#tpu.dimension_semantics<arbitrary>], iteration_bounds = array<i64: 25>, scalar_prefetch = 0 : i64, scratch_operands = 0 : i64, tpu.core_type = #tpu.core_type<tc>, window_params = [{transform_indices = @transform_0, window_bounds = array<i64: 400, 128>}, {pipeline_mode = #tpu.pipeline_mode<synchronous>, transform_indices = @transform_1, window_bounds = array<i64: 128, 128>}, {pipeline_mode = #tpu.pipeline_mode<synchronous>, transform_indices = @transform_2, window_bounds = array<i64: 1, 128>}, {pipeline_mode = #tpu.pipeline_mode<synchronous>, transform_indices = @transform_3, window_bounds = array<i64: 1, 128>}, {transform_indices = @transform_4, window_bounds = array<i64: 400, 128>}]} {
    %get3A = arith.constant 0 : index
    %get3A_0 = arith.constant 0 : index
    %get3A_1 = vector.load %arg1[%get3A, %get3A_0] : memref<400x128xf32, #tpu.memory_space<vmem>>, vector<400x128xf32>
    %get3A_2 = arith.constant 0 : index
    %get3A_3 = arith.constant 0 : index
    %get3A_4 = vector.load %arg2[%get3A_2, %get3A_3] : memref<128x128xf32, #tpu.memory_space<vmem>>, vector<128x128xf32>
    %dot_general3A = arith.constant dense<0.000000e+00> : vector<400x128xf32>
    %dot_general3A_5 = tpu.matmul %get3A_1, %get3A_4, %dot_general3A {dimension_numbers = #tpu.dot_dimension_numbers<[1], [0], [0], [1], [0, 0, 1, 1], [], []>, transpose_lhs_hint = false} : vector<400x128xf32>, vector<128x128xf32>, vector<400x128xf32> -> vector<400x128xf32>
    %get3A_6 = arith.constant 0 : index
    %get3A_7 = arith.constant 0 : index
    %get3A_8 = vector.load %arg3[%get3A_6, %get3A_7] : memref<1x128xf32, #tpu.memory_space<vmem>>, vector<1x128xf32>
    %add3A = vector.broadcast %get3A_8 : vector<1x128xf32> to vector<400x128xf32>
    %add3A_9 = arith.addf %dot_general3A_5, %add3A : vector<400x128xf32>
    %get3A_10 = arith.constant 0 : index
    %get3A_11 = arith.constant 0 : index
    %get3A_12 = vector.load %arg4[%get3A_10, %get3A_11] : memref<1x128xf32, #tpu.memory_space<vmem>>, vector<1x128xf32>
    %add3A_13 = vector.broadcast %get3A_12 : vector<1x128xf32> to vector<400x128xf32>
    %add3A_14 = arith.addf %add3A_9, %add3A_13 : vector<400x128xf32>
    %swap3A = arith.constant 0 : index
    %swap3A_15 = arith.constant 0 : index
    %swap3A_16 = vector.load %arg5[%swap3A, %swap3A_15] : memref<400x128xf32, #tpu.memory_space<vmem>>, vector<400x128xf32>
    tpu.vector_store %arg5[%swap3A, %swap3A_15], %add3A_14 {strides = array<i32>} : memref<400x128xf32, #tpu.memory_space<vmem>>, vector<400x128xf32>,
    return
  }
  func.func @transform_0(%arg0: i32) -> (i32, i32) {
    %c0_i32 = arith.constant 0 : i32
    %c0_i32_0 = arith.constant 0 : i32
    return %arg0, %c0_i32 : i32, i32
  }
  func.func @transform_1(%arg0: i32) -> (i32, i32) {
    %c0_i32 = arith.constant 0 : i32
    %c0_i32_0 = arith.constant 0 : i32
    %c0_i32_1 = arith.constant 0 : i32
    return %c0_i32, %c0_i32_0 : i32, i32
  }
  func.func @transform_2(%arg0: i32) -> (i32, i32) {
    %c0_i32 = arith.constant 0 : i32
    %c0_i32_0 = arith.constant 0 : i32
    %c0_i32_1 = arith.constant 0 : i32
    return %c0_i32, %c0_i32_0 : i32, i32
  }
  func.func @transform_3(%arg0: i32) -> (i32, i32) {
    %c0_i32 = arith.constant 0 : i32
    %c0_i32_0 = arith.constant 0 : i32
    %c0_i32_1 = arith.constant 0 : i32
    return %c0_i32, %c0_i32_0 : i32, i32
  }
  func.func @transform_4(%arg0: i32) -> (i32, i32) {
    %c0_i32 = arith.constant 0 : i32
    %c0_i32_0 = arith.constant 0 : i32
    return %arg0, %c0_i32 : i32, i32
  }
}

module attributes {stable_mosaic.version = 14 : i64} {
  func.func @_tc_combine_body(%arg0: i32, %arg1: memref<400x128xf32, #tpu.memory_space<vmem>>, %arg2: memref<2x400x64xf32, #tpu.memory_space<vmem>>, %arg3: memref<2x400x16xf32, #tpu.memory_space<vmem>>, %arg4: memref<128x128xf32, #tpu.memory_space<vmem>>, %arg5: memref<400x128xf32, #tpu.memory_space<vmem>>) attributes {dimension_semantics = [#tpu.dimension_semantics<arbitrary>], iteration_bounds = array<i64: 25>, scalar_prefetch = 0 : i64, scratch_operands = 0 : i64, tpu.core_type = #tpu.core_type<tc>, window_params = [{transform_indices = @transform_0, window_bounds = array<i64: 400, 128>}, {transform_indices = @transform_1, window_bounds = array<i64: 2, 400, 64>}, {transform_indices = @transform_2, window_bounds = array<i64: 2, 400, 16>}, {pipeline_mode = #tpu.pipeline_mode<synchronous>, transform_indices = @transform_3, window_bounds = array<i64: 128, 128>}, {transform_indices = @transform_4, window_bounds = array<i64: 400, 128>}]} {
    %get3A = arith.constant 0 : index
    %get3A_0 = arith.constant 0 : index
    %get3A_1 = arith.constant 0 : index
    %get3A_2 = vector.load %arg3[%get3A, %get3A_0, %get3A_1] : memref<2x400x16xf32, #tpu.memory_space<vmem>>, vector<1x400x16xf32>
    %get3A_3 = vector.shape_cast %get3A_2 : vector<1x400x16xf32> to vector<400x16xf32>
    %get3A_4 = arith.constant 1 : index
    %get3A_5 = arith.constant 0 : index
    %get3A_6 = arith.constant 0 : index
    %get3A_7 = vector.load %arg3[%get3A_4, %get3A_5, %get3A_6] : memref<2x400x16xf32, #tpu.memory_space<vmem>>, vector<1x400x16xf32>
    %get3A_8 = vector.shape_cast %get3A_7 : vector<1x400x16xf32> to vector<400x16xf32>
    %slice3A = vector.extract_strided_slice %get3A_3 {offsets = [0, 0], sizes = [400, 1], strides = [1, 1]} : vector<400x16xf32> to vector<400x1xf32>
    %slice3A_9 = vector.extract_strided_slice %get3A_8 {offsets = [0, 0], sizes = [400, 1], strides = [1, 1]} : vector<400x16xf32> to vector<400x1xf32>
    %add3A = arith.addf %slice3A, %slice3A_9 : vector<400x1xf32>
    %max3A = arith.constant 1.000000e+00 : f32
    %max3A_10 = vector.broadcast %max3A : f32 to vector<400x1xf32>
    %max3A_11 = arith.maximumf %add3A, %max3A_10 : vector<400x1xf32>
    %div3A = arith.constant 1.000000e+00 : f32
    %div3A_12 = vector.broadcast %div3A : f32 to vector<400x1xf32>
    %div3A_13 = arith.divf %div3A_12, %max3A_11 : vector<400x1xf32>
    %get3A_14 = arith.constant 0 : index
    %get3A_15 = arith.constant 0 : index
    %get3A_16 = arith.constant 0 : index
    %get3A_17 = vector.load %arg2[%get3A_14, %get3A_15, %get3A_16] : memref<2x400x64xf32, #tpu.memory_space<vmem>>, vector<1x400x64xf32>
    %get3A_18 = vector.shape_cast %get3A_17 : vector<1x400x64xf32> to vector<400x64xf32>
    %get3A_19 = arith.constant 1 : index
    %get3A_20 = arith.constant 0 : index
    %get3A_21 = arith.constant 0 : index
    %get3A_22 = vector.load %arg2[%get3A_19, %get3A_20, %get3A_21] : memref<2x400x64xf32, #tpu.memory_space<vmem>>, vector<1x400x64xf32>
    %get3A_23 = vector.shape_cast %get3A_22 : vector<1x400x64xf32> to vector<400x64xf32>
    %concatenate3A = tpu.concatenate %get3A_18, %get3A_23 in 1 : vector<400x64xf32>, vector<400x64xf32> -> vector<400x128xf32>
    %mul3A = vector.broadcast %div3A_13 : vector<400x1xf32> to vector<400x128xf32>
    %mul3A_24 = arith.mulf %concatenate3A, %mul3A : vector<400x128xf32>
    %get3A_25 = arith.constant 0 : index
    %get3A_26 = arith.constant 0 : index
    %get3A_27 = vector.load %arg1[%get3A_25, %get3A_26] : memref<400x128xf32, #tpu.memory_space<vmem>>, vector<400x128xf32>
    %get3A_28 = arith.constant 0 : index
    %get3A_29 = arith.constant 0 : index
    %get3A_30 = vector.load %arg4[%get3A_28, %get3A_29] : memref<128x128xf32, #tpu.memory_space<vmem>>, vector<128x128xf32>
    %dot_general3A = arith.constant dense<0.000000e+00> : vector<400x128xf32>
    %dot_general3A_31 = tpu.matmul %mul3A_24, %get3A_30, %dot_general3A {dimension_numbers = #tpu.dot_dimension_numbers<[1], [0], [0], [1], [0, 0, 1, 1], [], []>, transpose_lhs_hint = false} : vector<400x128xf32>, vector<128x128xf32>, vector<400x128xf32> -> vector<400x128xf32>
    %add3A_32 = arith.addf %get3A_27, %dot_general3A_31 : vector<400x128xf32>
    %max3A_33 = arith.constant 0.000000e+00 : f32
    %max3A_34 = vector.broadcast %max3A_33 : f32 to vector<400x128xf32>
    %max3A_35 = arith.maximumf %add3A_32, %max3A_34 : vector<400x128xf32>
    %swap3A = arith.constant 0 : index
    %swap3A_36 = arith.constant 0 : index
    %swap3A_37 = vector.load %arg5[%swap3A, %swap3A_36] : memref<400x128xf32, #tpu.memory_space<vmem>>, vector<400x128xf32>
    tpu.vector_store %arg5[%swap3A, %swap3A_36], %max3A_35 {strides = array<i32>} : memref<400x128xf32, #tpu.memory_space<vmem>>, vector<400x128xf32>,
    return
  }
  func.func @transform_0(%arg0: i32) -> (i32, i32) {
    %c0_i32 = arith.constant 0 : i32
    %c0_i32_0 = arith.constant 0 : i32
    return %arg0, %c0_i32 : i32, i32
  }
  func.func @transform_1(%arg0: i32) -> (i32, i32, i32) {
    %c0_i32 = arith.constant 0 : i32
    %c0_i32_0 = arith.constant 0 : i32
    %c0_i32_1 = arith.constant 0 : i32
    return %c0_i32, %arg0, %c0_i32_0 : i32, i32, i32
  }
  func.func @transform_2(%arg0: i32) -> (i32, i32, i32) {
    %c0_i32 = arith.constant 0 : i32
    %c0_i32_0 = arith.constant 0 : i32
    %c0_i32_1 = arith.constant 0 : i32
    return %c0_i32, %arg0, %c0_i32_0 : i32, i32, i32
  }
  func.func @transform_3(%arg0: i32) -> (i32, i32) {
    %c0_i32 = arith.constant 0 : i32
    %c0_i32_0 = arith.constant 0 : i32
    %c0_i32_1 = arith.constant 0 : i32
    return %c0_i32, %c0_i32_0 : i32, i32
  }
  func.func @transform_4(%arg0: i32) -> (i32, i32) {
    %c0_i32 = arith.constant 0 : i32
    %c0_i32_0 = arith.constant 0 : i32
    return %arg0, %c0_i32 : i32, i32
  }
}

module attributes {stable_mosaic.version = 14 : i64} {
  func.func @_tc_combine_body(%arg0: i32, %arg1: memref<400x128xf32, #tpu.memory_space<vmem>>, %arg2: memref<2x400x64xf32, #tpu.memory_space<vmem>>, %arg3: memref<2x400x16xf32, #tpu.memory_space<vmem>>, %arg4: memref<128x128xf32, #tpu.memory_space<vmem>>, %arg5: memref<400x128xf32, #tpu.memory_space<vmem>>) attributes {dimension_semantics = [#tpu.dimension_semantics<arbitrary>], iteration_bounds = array<i64: 25>, scalar_prefetch = 0 : i64, scratch_operands = 0 : i64, tpu.core_type = #tpu.core_type<tc>, window_params = [{transform_indices = @transform_0, window_bounds = array<i64: 400, 128>}, {transform_indices = @transform_1, window_bounds = array<i64: 2, 400, 64>}, {transform_indices = @transform_2, window_bounds = array<i64: 2, 400, 16>}, {pipeline_mode = #tpu.pipeline_mode<synchronous>, transform_indices = @transform_3, window_bounds = array<i64: 128, 128>}, {transform_indices = @transform_4, window_bounds = array<i64: 400, 128>}]} {
    %get3A = arith.constant 0 : index
    %get3A_0 = arith.constant 0 : index
    %get3A_1 = arith.constant 0 : index
    %get3A_2 = vector.load %arg3[%get3A, %get3A_0, %get3A_1] : memref<2x400x16xf32, #tpu.memory_space<vmem>>, vector<1x400x16xf32>
    %get3A_3 = vector.shape_cast %get3A_2 : vector<1x400x16xf32> to vector<400x16xf32>
    %get3A_4 = arith.constant 1 : index
    %get3A_5 = arith.constant 0 : index
    %get3A_6 = arith.constant 0 : index
    %get3A_7 = vector.load %arg3[%get3A_4, %get3A_5, %get3A_6] : memref<2x400x16xf32, #tpu.memory_space<vmem>>, vector<1x400x16xf32>
    %get3A_8 = vector.shape_cast %get3A_7 : vector<1x400x16xf32> to vector<400x16xf32>
    %slice3A = vector.extract_strided_slice %get3A_3 {offsets = [0, 0], sizes = [400, 1], strides = [1, 1]} : vector<400x16xf32> to vector<400x1xf32>
    %slice3A_9 = vector.extract_strided_slice %get3A_8 {offsets = [0, 0], sizes = [400, 1], strides = [1, 1]} : vector<400x16xf32> to vector<400x1xf32>
    %add3A = arith.addf %slice3A, %slice3A_9 : vector<400x1xf32>
    %max3A = arith.constant 1.000000e+00 : f32
    %max3A_10 = vector.broadcast %max3A : f32 to vector<400x1xf32>
    %max3A_11 = arith.maximumf %add3A, %max3A_10 : vector<400x1xf32>
    %div3A = arith.constant 1.000000e+00 : f32
    %div3A_12 = vector.broadcast %div3A : f32 to vector<400x1xf32>
    %div3A_13 = arith.divf %div3A_12, %max3A_11 : vector<400x1xf32>
    %get3A_14 = arith.constant 0 : index
    %get3A_15 = arith.constant 0 : index
    %get3A_16 = arith.constant 0 : index
    %get3A_17 = vector.load %arg2[%get3A_14, %get3A_15, %get3A_16] : memref<2x400x64xf32, #tpu.memory_space<vmem>>, vector<1x400x64xf32>
    %get3A_18 = vector.shape_cast %get3A_17 : vector<1x400x64xf32> to vector<400x64xf32>
    %get3A_19 = arith.constant 1 : index
    %get3A_20 = arith.constant 0 : index
    %get3A_21 = arith.constant 0 : index
    %get3A_22 = vector.load %arg2[%get3A_19, %get3A_20, %get3A_21] : memref<2x400x64xf32, #tpu.memory_space<vmem>>, vector<1x400x64xf32>
    %get3A_23 = vector.shape_cast %get3A_22 : vector<1x400x64xf32> to vector<400x64xf32>
    %concatenate3A = tpu.concatenate %get3A_18, %get3A_23 in 1 : vector<400x64xf32>, vector<400x64xf32> -> vector<400x128xf32>
    %mul3A = vector.broadcast %div3A_13 : vector<400x1xf32> to vector<400x128xf32>
    %mul3A_24 = arith.mulf %concatenate3A, %mul3A : vector<400x128xf32>
    %get3A_25 = arith.constant 0 : index
    %get3A_26 = arith.constant 0 : index
    %get3A_27 = vector.load %arg1[%get3A_25, %get3A_26] : memref<400x128xf32, #tpu.memory_space<vmem>>, vector<400x128xf32>
    %get3A_28 = arith.constant 0 : index
    %get3A_29 = arith.constant 0 : index
    %get3A_30 = vector.load %arg4[%get3A_28, %get3A_29] : memref<128x128xf32, #tpu.memory_space<vmem>>, vector<128x128xf32>
    %dot_general3A = arith.constant dense<0.000000e+00> : vector<400x128xf32>
    %dot_general3A_31 = tpu.matmul %mul3A_24, %get3A_30, %dot_general3A {dimension_numbers = #tpu.dot_dimension_numbers<[1], [0], [0], [1], [0, 0, 1, 1], [], []>, transpose_lhs_hint = false} : vector<400x128xf32>, vector<128x128xf32>, vector<400x128xf32> -> vector<400x128xf32>
    %add3A_32 = arith.addf %get3A_27, %dot_general3A_31 : vector<400x128xf32>
    %max3A_33 = arith.constant 0.000000e+00 : f32
    %max3A_34 = vector.broadcast %max3A_33 : f32 to vector<400x128xf32>
    %max3A_35 = arith.maximumf %add3A_32, %max3A_34 : vector<400x128xf32>
    %swap3A = arith.constant 0 : index
    %swap3A_36 = arith.constant 0 : index
    %swap3A_37 = vector.load %arg5[%swap3A, %swap3A_36] : memref<400x128xf32, #tpu.memory_space<vmem>>, vector<400x128xf32>
    tpu.vector_store %arg5[%swap3A, %swap3A_36], %max3A_35 {strides = array<i32>} : memref<400x128xf32, #tpu.memory_space<vmem>>, vector<400x128xf32>,
    return
  }
  func.func @transform_0(%arg0: i32) -> (i32, i32) {
    %c0_i32 = arith.constant 0 : i32
    %c0_i32_0 = arith.constant 0 : i32
    return %arg0, %c0_i32 : i32, i32
  }
  func.func @transform_1(%arg0: i32) -> (i32, i32, i32) {
    %c0_i32 = arith.constant 0 : i32
    %c0_i32_0 = arith.constant 0 : i32
    %c0_i32_1 = arith.constant 0 : i32
    return %c0_i32, %arg0, %c0_i32_0 : i32, i32, i32
  }
  func.func @transform_2(%arg0: i32) -> (i32, i32, i32) {
    %c0_i32 = arith.constant 0 : i32
    %c0_i32_0 = arith.constant 0 : i32
    %c0_i32_1 = arith.constant 0 : i32
    return %c0_i32, %arg0, %c0_i32_0 : i32, i32, i32
  }
  func.func @transform_3(%arg0: i32) -> (i32, i32) {
    %c0_i32 = arith.constant 0 : i32
    %c0_i32_0 = arith.constant 0 : i32
    %c0_i32_1 = arith.constant 0 : i32
    return %c0_i32, %c0_i32_0 : i32, i32
  }
  func.func @transform_4(%arg0: i32) -> (i32, i32) {
    %c0_i32 = arith.constant 0 : i32
    %c0_i32_0 = arith.constant 0 : i32
    return %arg0, %c0_i32 : i32, i32
  }
}

</mosaic_0001>

<sc_bundles>
// kernel: kernel.11.cloned.1.call-start
scs
__scs_entry_jumppad:
0x0: {  	(pc) =	sbr.rel $0x88, $3  }
0x1: {  	(tag) =	ssettag $0x0;
	lr =	simm.s32 $0x1  }
0x2: {  	[smem:$0x3F97] =	sst lr;
	_ =	strace $0xD0000000  }
0x3: {  	_ = 	snop  }
0x4: {  	_ = 	snop  }
0x5: {  	_ = 	snop  }
0x6: {  	_ = 	snop  }
0x7: {  	_ = 	snop  }
__scs_overlays_trampoline_lowered:
0x8: {  	[smem:$0x3FA6] =	sst s0  }
0x9: {  	[smem:$0x3FA7] =	sst s1  }
0xa: {  	[smem:$0x3FA8] =	sst s2  }
0xb: {  	[smem:$0x3FA9] =	sst s3  }
0xc: {  	[smem:$0x3FAA] =	sst s4  }
0xd: {  	[smem:$0x3FAB] =	sst s5  }
0xe: {  	[smem:$0x3FAC] =	sst s6  }
0xf: {  	[smem:$0x3FAD] =	sst s7  }
0x10: {  	[smem:$0x3FAE] =	sst s8  }
0x11: {  	[smem:$0x3FAF] =	sst s9;
	s0 =	simm.s32 @!p0 $0x0  }
0x12: {  	s1 =	sld [smem:$0x3F95];
	s0 =	simm.s32 @p0 $0x1  }
0x13: {  	[smem:$0x3FB0] =	sst s0;
	s0 =	simm.s32 @!p1 $0x0  }
0x14: {  	s2 =	sld [smem:$0x3F94];
	s0 =	simm.s32 @p1 $0x1  }
0x15: {  	[smem:$0x3FB1] =	sst s0;
	s0 =	simm.s32 @!p2 $0x0  }
0x16: {  	s3 =	sld [smem:$0x3FDB];
	s0 =	simm.s32 @p2 $0x1  }
0x17: {  	s4 =	simm.s32 $0x1BF5;
	[smem:$0x3FB3] =	sst s0  }
0x18: {  	s0 =	sld [smem:$0x3F96];
	_ =	swait.ge [sflag:s4], $0x0  }
0x19: {  	s7 =	sld [smem:$0x3F97]  }
0x1a: {  	s8 =	sadd.s32 $0xFFFFE003, lr  }
0x1b: {  	s9 =	sadd.s32 $0xFFFFFEF7, lr;
	s5 =	simm.s32 $0xFFFFFFFF;
	p2 =	slt.u32 s8, $0xFFFFF086  }
0x1c: {  	p1 =	slt.u32 s9, $0xF7A;
	s5 =	simm.s32 @!p2 $0x0  }
0x1d: {  	s5 =	simm.s32 @p1 $0x1;
	p0 =	seq.s32 s7, s2  }
0x1e: {  	s7 =	smul.u32 @!p0 $0xF7A, s2;
	p2 =	seq.s32 @!p0 s5, $0x0  }
0x1f: {  	s9 =	smul.u32 $0xF7A, s1;
	s8 =	simm.s32 @!p0 $0x1BF5;
	p2 =	por !p2, p0  }
0x20: {  	[sflag:s8] =	ssyncset.s32 @!p0 $0xFFFFF086;
	s6 =	sadd.s32 @!p0 s3, s7;
	s7 =	simm.s32 @!p0 $0x108  }
0x21: {  	s3 =	sadd.s32 s3, s9;
	s6 =	sadd.s32 @!p0 $0x88, s6;
	s7 =	simm.s32 @p2 $0x1082  }
0x22: {  	[simem:s7], [sflag:s8] =	dma.local @!p0 [hbm:s6], $0xF7A  }
0x23: {  	s9 =	sor.u32 $0xD0000000, s2;
	s6 =	simm.s32 $0x108;
	_ =	swait.ge @!p0 [sflag:s8], $0x0  }
0x24: {  	s3 =	sadd.s32 $0x88, s3;
	s6 =	simm.s32 @!p1 $0x1082;
	[sflag:s4] =	ssyncset.s32 $0xFFFFF086  }
0x25: {  	[simem:s6], [sflag:s4] =	dma.local [hbm:s3], $0xF7A  }
0x26: {  	[smem:$0x3F97] =	sst s1;
	(tag) =	ssettag s2;
	_ =	strace s9  }
0x27: {  	s1 =	sld [smem:$0x3FA7]  }
0x28: {  	s2 =	sld [smem:$0x3FA8]  }
0x29: {  	s4 =	sld [smem:$0x3FAA]  }
0x2a: {  	p0 =	seq.s32 s5, $0x0;
	s5 =	sld [smem:$0x3FAB]  }
0x2b: {  	s6 =	sld [smem:$0x3FAC]  }
0x2c: {  	s7 =	sld [smem:$0x3FAD]  }
0x2d: {  	s3 =	simm.s32 $0x108;
	s8 =	sld [smem:$0x3FAE]  }
0x2e: {  	s3 =	simm.s32 @!p0 $0x1082;
	s9 =	sld [smem:$0x3FAF]  }
0x2f: {  	lr =	sadd.s32 s0, s3;
	s0 =	sld [smem:$0x3FA6]  }
0x30: {  	s3 =	sld [smem:$0x3FA9]  }
0x31: {  	[smem:$0x3FB2] =	sst s10  }
0x32: {  	s10 =	sld [smem:$0x3FB0];
	_ =	sdelay $0x3  }
0x33: {  	p0 =	seq.s32 s10, $0x1;
	s10 =	sld [smem:$0x3FB2];
	_ =	sdelay $0x3  }
0x34: {  	[smem:$0x3FB2] =	sst s10  }
0x35: {  	s10 =	sld [smem:$0x3FB1];
	_ =	sdelay $0x3  }
0x36: {  	p1 =	seq.s32 s10, $0x1;
	s10 =	sld [smem:$0x3FB2];
	_ =	sdelay $0x3  }
0x37: {  	[smem:$0x3FB2] =	sst s10  }
0x38: {  	s10 =	sld [smem:$0x3FB3]  }
0x39: {  	_ = 	snop;
	(pc) =	sbr.ind lr, $3  }
0x3a: {  	_ = 	snop  }
0x3b: {  	_ = 	snop  }
0x3c: {  	p2 =	seq.s32 s10, $0x1;
	s10 =	sld [smem:$0x3FB2]  }
0x3d: {  	_ =	shalt  }
0x3e: {  	_ =	shalt  }
0x3f: {  	_ =	shalt  }
0x40: {  	_ =	shalt  }
0x41: {  	_ =	shalt  }
0x42: {  	_ =	shalt  }
0x43: {  	_ =	shalt  }
0x44: {  	_ =	shalt  }
0x45: {  	_ =	shalt  }
0x46: {  	_ =	shalt  }
0x47: {  	_ =	shalt  }
0x48: {  	_ =	shalt  }
0x49: {  	_ =	shalt  }
0x4a: {  	_ =	shalt  }
0x4b: {  	_ =	shalt  }
0x4c: {  	_ =	shalt  }
0x4d: {  	_ =	shalt  }
0x4e: {  	_ =	shalt  }
0x4f: {  	_ =	shalt  }
0x50: {  	_ =	shalt  }
0x51: {  	_ =	shalt  }
0x52: {  	_ =	shalt  }
0x53: {  	_ =	shalt  }
0x54: {  	_ =	shalt  }
0x55: {  	_ =	shalt  }
0x56: {  	_ =	shalt  }
0x57: {  	_ =	shalt  }
0x58: {  	_ =	shalt  }
0x59: {  	_ =	shalt  }
0x5a: {  	_ =	shalt  }
0x5b: {  	_ =	shalt  }
0x5c: {  	_ =	shalt  }
0x5d: {  	_ =	shalt  }
0x5e: {  	_ =	shalt  }
0x5f: {  	_ =	shalt  }
0x60: {  	_ =	shalt  }
0x61: {  	_ =	shalt  }
0x62: {  	_ =	shalt  }
0x63: {  	_ =	shalt  }
0x64: {  	_ =	shalt  }
0x65: {  	_ =	shalt  }
0x66: {  	_ =	shalt  }
0x67: {  	_ =	shalt  }
0x68: {  	_ =	shalt  }
0x69: {  	_ =	shalt  }
0x6a: {  	_ =	shalt  }
0x6b: {  	_ =	shalt  }
0x6c: {  	_ =	shalt  }
0x6d: {  	_ =	shalt  }
0x6e: {  	_ =	shalt  }
0x6f: {  	_ =	shalt  }
0x70: {  	_ =	shalt  }
0x71: {  	_ =	shalt  }
0x72: {  	_ =	shalt  }
0x73: {  	_ =	shalt  }
0x74: {  	_ =	shalt  }
0x75: {  	_ =	shalt  }
0x76: {  	_ =	shalt  }
0x77: {  	_ =	shalt  }
0x78: {  	_ =	shalt  }
0x79: {  	_ =	shalt  }
0x7a: {  	_ =	shalt  }
0x7b: {  	_ =	shalt  }
0x7c: {  	_ =	shalt  }
0x7d: {  	_ =	shalt  }
0x7e: {  	_ =	shalt  }
0x7f: {  	_ =	shalt  }
0x80: {  	_ =	shalt  }
0x81: {  	_ =	shalt  }
0x82: {  	_ =	shalt  }
0x83: {  	_ =	shalt  }
0x84: {  	_ =	shalt  }
0x85: {  	_ =	shalt  }
0x86: {  	_ =	shalt  }
0x87: {  	_ =	shalt  }
.Lfunc_end0:
.L_simem_size_0:
called_computation.1_lowered:
.L_overlay_start_0:
0x88: {  	s2 =	sld [smem:$0x3FD9]  }
0x89: {  	s3 =	sld [smem:$0x3FFE];
	_ =	sdelay $0x1  }
0x8a: {  	s1 =	srdreg.scid  }
0x8b: {  	s0 =	sand.u32 $0x1, s1  }
0x8c: {  	s17 =	sshll.u32 s0, $0xA;
	s2 =	sadd.s32 s3, s2  }
0x8d: {  	s2 =	sadd.s32 s2, s17  }
0x8e: {  	[smem:$0x3FBE] =	sst s2  }
0x8f: {  	_ = 	snop  }
0x90: {  	s2 =	sld [smem:$0x3FD0];
	(tm) =	ssettm $0x1  }
0x91: {  	s18 =	sld [smem:$0x3FFB];
	_ =	sdelay $0x3  }
0x92: {  	_ =	strace s18  }
0x93: {  	s3 =	sld [smem:$0x3FFC];
	_ =	sdelay $0x3  }
0x94: {  	_ =	strace s3  }
0x95: {  	s3 =	sld [smem:$0x3FFD];
	_ =	sdelay $0x3  }
0x96: {  	_ =	strace s3  }
0x97: {  	_ =	strace $0x8FFFFFFF  }
0x98: {  	s19 =	sld [smem:$0x3FDB];
	_ =	sdelay $0x1  }
0x99: {  	s4 =	simm.s32 $_scs_section_size  }
0x9a: {  	s5 =	simm.s32 $_size__tile_overlayer_lowered;
	s6 =	simm.s32 $_tile_overlayer_lowered  }
0x9b: {  	s22 =	simm.s32 $0x1BFF;
	s21 =	sshll.u32 s6, $0x1;
	s3 =	sadd.s32 s4, s19  }
0x9c: {  	s7 =	simm.s32 $0x0;
	s20 =	sshll.u32 s5, $0x1;
	s5 =	sadd.s32 s21, s3  }
0x9d: {  	[timem:s7], [sflag:s22] =	dma.local [hbm:s5], s20  }
0x9e: {  	_ =	swait.ge [sflag:s22], s20  }
0x9f: {  	s4 =	ssub.s32 $0x0, s20;
	[sflag:s22] =	ssyncset.done $0x0  }
0xa0: {  	[sflag:s22] =	ssyncadd.s32 s4;
	_ =	sdelay $0x1  }
0xa1: {  	s23 =	simm.s32 $0x1B8B  }
0xa2: {  	_ =	swait.ge [sflag:s23], $0x1  }
0xa3: {  	[sflag:s23] =	ssyncset.done $0x0  }
0xa4: {  	s25 =	simm.s32 $0x1B8E;
	s24 =	sld [smem:$0x3FFE];
	[sflag:s23] =	ssyncadd.s32 $0xFFFFFFFF  }
0xa5: {  	s26 =	simm.s32 $execute0_lowered;
	[smem:$0x3FD2] =	sst s25  }
0xa6: {  	s5 =	sshll.u32 s26, $0x1;
	_ =	strace $0x80000049;
	[dreg:$0x1] =	wrdreg $0xFFFFFFFF  }
0xa7: {  	s28 =	simm.s32 $_size_execute0_lowered;
	s3 =	sadd.s32 s3, s5;
	[dreg:$0x0] =	wrdreg $0x0  }
0xa8: {  	s5 =	sshll.u32 s28, $0x1;
	[dreg:$0x2] =	wrdreg s3  }
0xa9: {  	[dreg:$0x3] =	wrdreg s5  }
0xaa: {  	[dreg:$0x4] =	wrdreg $0xC0  }
0xab: {  	_ =	task [dreg:s7], $0x5FFFF  }
0xac: {  	[dreg:$0x1] =	wrdreg $0xFFFFFFFF  }
0xad: {  	[dreg:$0x0] =	wrdreg $0x60  }
0xae: {  	[dreg:$0x2] =	wrdreg s2  }
0xaf: {  	[dreg:$0x3] =	wrdreg s24  }
0xb0: {  	[dreg:$0x4] =	wrdreg $0x110400  }
0xb1: {  	[dreg:$0x5] =	wrdreg $0x9  }
0xb2: {  	_ =	task.clear_ibuf [dreg:s7], $0x6FFFF;
	_ =	strace $0x90000049  }
0xb3: {  	s29 =	simm.s32 $0x9;
	_ =	strace $0x8000004B  }
0xb4: {  	_ =	swait.ge [sflag:s29], $0x1  }
0xb5: {  	[sflag:s29] =	ssyncadd.s32 $0xFFFFFFFF  }
0xb6: {  	_ =	strace $0x9000004B  }
0xb7: {  	_ =	sfence  }
0xb8: {  	s30 =	sld [smem:$0x0];
	_ =	sdelay $0x2  }
0xb9: {  	s31 =	sshll.u32 s1, $0xD;
	s1 =	sshrl.u32 s1, $0x2  }
0xba: {  	s3 =	sand.u32 $0x4000, s31;
	s1 =	sadd.s32 s1, s30  }
0xbb: {  	s0 =	sor.u32 s3, s0;
	s1 =	sshll.u32 s1, $0x11  }
0xbc: {  	s0 =	sor.u32 s1, s0  }
0xbd: {  	s0 =	sadd.s32 $0x8F2B, s0  }
0xbe: {  	[sflag:s0] =	ssyncadd.remote.s32 $0x1  }
0xbf: {  	_ =	sfence.sel $0xFFFF  }
0xc0: {  	[dreg:$0x0] =	wrdreg $0xFFFFFFFF;
	(pc) =	sbr.abs _section_cstart, $3  }
0xc1: {  	[dreg:$0x1] =	wrdreg $0xFFFFFFFF  }
0xc2: {  	_ =	task.clear_ibuf [dreg:s7], $0x2FFFF;
	_ =	strace $0x9FFFFFFF  }
0xc3: {  	(tm) =	ssettm $0x7FFFFFFF  }
tec
execute0_lowered:
.L_overlay_start_1:
0x0: {  	(tag) =	ssettag $0x1  }
0x1: {  	s1 =	rddreg [dreg:$0x0]  }
0x2: {  	s0 =	rddreg [dreg:$0x1]  }
0x3: {  	s7 =	stileid.u32;
	s4 =	srdreg.scid  }
0x4: {  	s3 =	rddreg [dreg:$0x2];
	s2 =	smul.u32 $0x9C4, s7  }
0x5: {  	s19 =	simm.s32 $0x10040;
	s20 =	simm.s32 $0x6;
	s5 =	smul.u32 $0xA000, s7  }
0x6: {  	s21 =	sand.u32 $0x1, s4;
	s4 =	simm.s32 $0x0;
	s7 =	smul.u32 $0x28000, s7  }
0x7: {  	s22 =	simm.s32 $0x50;
	s6 =	smul.u32 $0xA0000, s21;
	[smem:$0x7FF] =	sst s4  }
0x8: {  	s8 =	ssub.s32 $0x2, s21;
	_ =	strace $0x8000004A;
	s2 =	sadd.s32 s2, s0  }
0x9: {  	s7 =	sshrl.u32 s7, $0x2;
	s31 =	sshrl.u32 s8, $0x1;
	s6 =	sadd.s32 s5, s6  }
0xa: {  	s14 =	sadd.s32 s7, s3;
	s18 =	ssub.s32 s8, s31;
	s5 =	sadd.s32 s5, s3  }
0xb: {  	s15 =	sadd.s32 $0xC600, s2;
	s16 =	sadd.s32 $0x2800, s2;
	s6 =	sshrl.u32 s6, $0x3  }
0xc: {  	s7 =	sadd.s32 $0x2000, s14;
	s8 =	sadd.s32 $0x3000, s14;
	s9 =	sadd.s32 $0x4000, s14  }
0xd: {  	s10 =	sadd.s32 $0x5000, s14;
	s11 =	sadd.s32 $0x6000, s14;
	s12 =	sadd.s32 $0x7000, s14  }
0xe: {  	s13 =	sadd.s32 $0x8000, s14;
	s18 =	smax.u32 s18, $0x1;
	s0 =	sadd.s32 s6, s0  }
0xf: {  	v1 =	vimm.f32 $0.0e+00;
	v0 =	vmov s21;
	s6 =	sadd.s32 $0x1000, s14;
	s14 =	sadd.s32 $0x9000, s14;
	s17 =	sadd.s32 $0x16400, s0  }
.LBB2_1:
0x10: {  	s2 =	simm.s32 $0x100;
	s0 =	simm.s32 $0x0  }
.LBB2_2:
0x11: {  	p0 =	sne.s32 s2, $0x3F00;
	[tilespmem:s0+$0x10070] =	vst v1;
	s21 =	smov.u32 s2;
	s2 =	sadd.s32 $0x100, s2  }
.Ltmp0:
0x12: {  	[tilespmem:s0+$0x10060] =	vst v1;
	(pc) =	sbr.rel @p0 .LBB2_2-.Ltmp0, $3  }
0x13: {  	[tilespmem:s0+$0x10040] =	vst v1  }
0x14: {  	[tilespmem:s0+$0x10050] =	vst v1;
	_ =	sdelay $0x1  }
0x15: {  	s0 =	sshra.s32 s21, $0x2  }
0x16: {  	[tilespmem:s0+$0x10070] =	vst v1  }
0x17: {  	[tilespmem:s0+$0x10060] =	vst v1  }
0x18: {  	[tilespmem:s0+$0x10040] =	vst v1  }
0x19: {  	[tilespmem:s0+$0x10050] =	vst v1  }
0x1a: {  	[spmem:s5] =	stream.linear.scatter [tilespmem:s19], [sflag:$0x6], $0x1000, $0x38;
	[tilespmem:$0x1B040] =	vst v63  }
0x1b: {  	_ =	swait.ge [sflag:s20], $0x1000  }
0x1c: {  	[sflag:s20] =	ssyncset.done $0x0  }
0x1d: {  	[sflag:s20] =	ssyncadd.s32 $0xFFFFF000  }
0x1e: {  	[spmem:s6] =	stream.linear.scatter [tilespmem:s19], [sflag:$0x6], $0x1000, $0x38;
	[tilespmem:$0x1B040] =	vst v63  }
0x1f: {  	_ =	swait.ge [sflag:s20], $0x1000  }
0x20: {  	[sflag:s20] =	ssyncset.done $0x0  }
0x21: {  	[sflag:s20] =	ssyncadd.s32 $0xFFFFF000  }
0x22: {  	[spmem:s7] =	stream.linear.scatter [tilespmem:s19], [sflag:$0x6], $0x1000, $0x38;
	[tilespmem:$0x1B040] =	vst v63  }
0x23: {  	_ =	swait.ge [sflag:s20], $0x1000  }
0x24: {  	[sflag:s20] =	ssyncset.done $0x0  }
0x25: {  	[sflag:s20] =	ssyncadd.s32 $0xFFFFF000  }
0x26: {  	[spmem:s8] =	stream.linear.scatter [tilespmem:s19], [sflag:$0x6], $0x1000, $0x38;
	[tilespmem:$0x1B040] =	vst v63  }
0x27: {  	_ =	swait.ge [sflag:s20], $0x1000  }
0x28: {  	[sflag:s20] =	ssyncset.done $0x0  }
0x29: {  	[sflag:s20] =	ssyncadd.s32 $0xFFFFF000  }
0x2a: {  	[spmem:s9] =	stream.linear.scatter [tilespmem:s19], [sflag:$0x6], $0x1000, $0x38;
	[tilespmem:$0x1B040] =	vst v63  }
0x2b: {  	_ =	swait.ge [sflag:s20], $0x1000  }
0x2c: {  	[sflag:s20] =	ssyncset.done $0x0  }
0x2d: {  	[sflag:s20] =	ssyncadd.s32 $0xFFFFF000  }
0x2e: {  	[spmem:s10] =	stream.linear.scatter [tilespmem:s19], [sflag:$0x6], $0x1000, $0x38;
	[tilespmem:$0x1B040] =	vst v63  }
0x2f: {  	_ =	swait.ge [sflag:s20], $0x1000  }
0x30: {  	[sflag:s20] =	ssyncset.done $0x0  }
0x31: {  	[sflag:s20] =	ssyncadd.s32 $0xFFFFF000  }
0x32: {  	[spmem:s11] =	stream.linear.scatter [tilespmem:s19], [sflag:$0x6], $0x1000, $0x38;
	[tilespmem:$0x1B040] =	vst v63  }
0x33: {  	_ =	swait.ge [sflag:s20], $0x1000  }
0x34: {  	[sflag:s20] =	ssyncset.done $0x0  }
0x35: {  	[sflag:s20] =	ssyncadd.s32 $0xFFFFF000  }
0x36: {  	[spmem:s12] =	stream.linear.scatter [tilespmem:s19], [sflag:$0x6], $0x1000, $0x38;
	[tilespmem:$0x1B040] =	vst v63  }
0x37: {  	_ =	swait.ge [sflag:s20], $0x1000  }
0x38: {  	[sflag:s20] =	ssyncset.done $0x0  }
0x39: {  	[sflag:s20] =	ssyncadd.s32 $0xFFFFF000  }
0x3a: {  	[spmem:s13] =	stream.linear.scatter [tilespmem:s19], [sflag:$0x6], $0x1000, $0x38;
	[tilespmem:$0x1B040] =	vst v63  }
0x3b: {  	_ =	swait.ge [sflag:s20], $0x1000  }
0x3c: {  	[sflag:s20] =	ssyncset.done $0x0  }
0x3d: {  	s29 =	simm.s32 $0x0;
	[sflag:s20] =	ssyncadd.s32 $0xFFFFF000  }
0x3e: {  	[spmem:s14] =	stream.linear.scatter [tilespmem:s19], [sflag:$0x6], $0x1000, $0x38;
	[tilespmem:$0x1B040] =	vst v63  }
0x3f: {  	s2 =	smul.u32 $0xCCCD, s29;
	_ =	swait.ge [sflag:s20], $0x1000  }
0x40: {  	[sflag:s20] =	ssyncset.done $0x0  }
0x41: {  	s30 =	sshrl.u32 s2, $0x12;
	[sflag:s20] =	ssyncadd.s32 $0xFFFFF000  }
0x42: {  	s2 =	smul.u32 $0x5, s30;
	[bflag:$0x0] =	sbarrier.arrive $0xFFFF  }
0x43: {  	[tilespmem:s29], [sflag:$0x6] =	stream.linear.gather [hbm4b:s15+s29], $0x4E20, $0x38;
	[tilespmem:$0x1B040] =	vst v63  }
0x44: {  	s0 =	smul.u32 $0x140, s30;
	_ =	swait.ge [sflag:s20], $0x4E20  }
0x45: {  	s21 =	simm.s32 $0x4E20;
	[sflag:s20] =	ssyncset.done $0x0  }
0x46: {  	s2 =	ssub.s32 $0x0, s2;
	s0 =	sshrl.u32 s0, $0x2;
	[sflag:s20] =	ssyncadd.s32 $0xFFFFB1E0  }
0x47: {  	[tilespmem:s21], [sflag:$0x6] =	stream.linear.gather [hbm4b:s16+s29], $0x4E20, $0x38;
	[tilespmem:$0x1B040] =	vst v63  }
0x48: {  	s31 =	sand.u32 $0xFFFF, s2;
	s2 =	simm.s32 $0x1;
	_ =	swait.ge [sflag:s20], $0x4E20  }
0x49: {  	s24 =	sshll.u32 s31, $0x4;
	s23 =	smul.u32 $0xCCCD, s2;
	[sflag:s20] =	ssyncset.done $0x0  }
0x4a: {  	s0 =	sadd.s32 s24, s0;
	s21 =	simm.s32 $0x2;
	[sflag:s20] =	ssyncadd.s32 $0xFFFFB1E0  }
.LBB2_4:
0x4b: {  	p0 =	sne.s32 s21, $0x4E1;
	v2 =	vld [tilespmem:s0+$0x0]  }
0x4c: {  	s23 =	sshrl.u32 s23, $0x12  }
0x4d: {  	s24 =	smul.u32 $0x5, s23  }
.Ltmp1:
0x4e: {  	(pc) =	sbr.rel @p0 .LBB2_4-.Ltmp1, $4  }
0x4f: {  	s23 =	smul.u32 $0x140, s23;
	s24 =	ssub.s32 s2, s24;
	s2 =	smov.u32 s21  }
0x50: {  	s24 =	sand.u32 $0xFFFF, s24;
	v2 =	vshll.u32 v2, $0x1  }
0x51: {  	s25 =	sshrl.u32 s23, $0x2;
	s24 =	sshll.u32 s24, $0x4;
	v2 =	vor.u32 v0, v2  }
0x52: {  	s21 =	sadd.s32 $0x1, s21;
	s23 =	smul.u32 $0xCCCD, s2;
	[tilespmem:s0+$0x0] =	vst v2;
	s0 =	sadd.s32 s24, s25  }
0x53: {  	v2 =	vld [tilespmem:s0+$0x0]  }
0x54: {  	s21 =	sshrl.u32 s23, $0x12  }
0x55: {  	s23 =	smul.u32 $0x5, s21;
	_ =	sdelay $0x1  }
0x56: {  	s21 =	smul.u32 $0x140, s21;
	s2 =	ssub.s32 s2, s23  }
0x57: {  	s2 =	sand.u32 $0xFFFF, s2;
	v2 =	vshll.u32 v2, $0x1  }
0x58: {  	s21 =	sshrl.u32 s21, $0x2;
	s2 =	sshll.u32 s2, $0x4;
	v2 =	vor.u32 v0, v2  }
0x59: {  	s2 =	sadd.s32 s2, s21;
	[tilespmem:s0+$0x0] =	vst v2  }
0x5a: {  	v2 =	vld [tilespmem:s2+$0x0];
	_ =	sdelay $0x1  }
0x5b: {  	s29 =	simm.s32 $0x0  }
0x5c: {  	s0 =	smul.u32 $0xCD, s29;
	_ =	sdelay $0x1  }
0x5d: {  	s30 =	simm.s32 $0x9C40;
	s0 =	sshrl.u32 s0, $0xA;
	v2 =	vshll.u32 v2, $0x1  }
0x5e: {  	s31 =	simm.s32 $0xB040;
	s24 =	simm.s32 $0xF0;
	s0 =	sand.u32 $0x3F, s0;
	v2 =	vor.u32 v0, v2  }
0x5f: {  	s25 =	simm.s32 $0xD840;
	s26 =	simm.s32 $0x140;
	s0 =	smul.u32 $0x5, s0;
	[tilespmem:s2+$0x0] =	vst v2  }
0x60: {  	[tilespmem:s30], [sflag:$0x1] =	stream.indirect.gather [hbm4b:s1+s22], $0x40, s29, s22, $0xb8;
	[tilespmem:$0x1B040] =	vst v63  }
0x61: {  	p0 =	por $0x0, $0x0;
	s23 =	simm.s32 $0xC440;
	s0 =	ssub.s32 $0x0, s0  }
0x62: {  	[tilespmem:s31], [sflag:$0x2] =	stream.indirect.gather [hbm4b:s1+s22], $0x40, s22, s22, $0xb8;
	[tilespmem:$0x1B040] =	vst v63  }
0x63: {  	s21 =	simm.s32 $0xA0;
	s0 =	sand.u32 $0xFF, s0;
	s2 =	simm.s32 $0x1  }
0x64: {  	[tilespmem:s23], [sflag:$0x3] =	stream.indirect.gather [hbm4b:s1+s22], $0x40, s21, s22, $0xb8;
	[tilespmem:$0x1B040] =	vst v63  }
0x65: {  	s29 =	simm.s32 $0xEC40;
	s30 =	smul.u32 $0x5000, s0;
	s23 =	sadd.s32 $0x1, s0  }
0x66: {  	[tilespmem:s25], [sflag:$0x4] =	stream.indirect.gather [hbm4b:s1+s22], $0x40, s24, s22, $0xb8;
	[tilespmem:$0x1B040] =	vst v63  }
0x67: {  	s0 =	simm.s32 $0x190;
	s21 =	sshrl.u32 s30, $0x2;
	s24 =	smul.u32 $0xCD, s2  }
0x68: {  	[tilespmem:s29], [sflag:$0x5] =	stream.indirect.gather [hbm4b:s1+s22], $0x40, s26, s22, $0xb8;
	[tilespmem:$0x1B040] =	vst v63  }
0x69: {  	s25 =	simm.s32 $0x4E20;
	s26 =	sshrl.u32 s24, $0xA;
	_ =	swait.ge [sflag:s23], $0x1400  }
0x6a: {  	s24 =	sadd.s32 $0x9C40, s21;
	s21 =	simm.s32 $0x4E70;
	[sflag:s23] =	ssyncset.done $0x0  }
0x6b: {  	s31 =	sand.u32 $0x3F, s26;
	s26 =	simm.s32 $0x190;
	[sflag:s23] =	ssyncadd.s32 $0xFFFFEC00  }
0x6c: {  	[spmem:s3] =	stream.indirect.scatter.add.f32 [tilespmem:s24], [sflag:$0x6], $0x40, s25, s22, $0xb8;
	[tilespmem:$0x1B040] =	vst v63  }
0x6d: {  	s28 =	smul.u32 $0x5, s31;
	s25 =	simm.s32 $0x2;
	_ =	swait.ge [sflag:s20], $0x1400  }
.LBB2_6:
0x6e: {  	[sflag:s20] =	ssyncset.done $0x0;
	s0 =	sadd.s32 $0x50, s0  }
0x6f: {  	s29 =	smov.u32 s2;
	s2 =	smov.u32 s25;
	s25 =	sadd.s32 $0x1, s25  }
0x70: {  	p1 =	sne.s32 s25, $0xFA;
	s28 =	ssub.s32 s29, s28;
	[sflag:s20] =	ssyncadd.s32 $0xFFFFEC00  }
0x71: {  	s30 =	simm.s32 @!p0 $0x50;
	s28 =	sand.u32 $0xFF, s28  }
0x72: {  	s31 =	smul.u32 $0x5000, s28;
	s28 =	sadd.s32 $0x1, s28  }
0x73: {  	[tilespmem:s24], [sflag:s23] =	stream.indirect.gather @!p0 [hbm4b:s1+s30], $0x40, s26, s30, $0xb8;
	[tilespmem:$0x1B040] =	vst v63  }
0x74: {  	s23 =	smul.u32 $0xCD, s2;
	s26 =	smov.u32 s0;
	s24 =	sshrl.u32 s31, $0x2  }
.Ltmp2:
0x75: {  	s24 =	sadd.s32 $0x9C40, s24;
	_ =	swait.ge [sflag:s28], $0x1400;
	(pc) =	sbr.rel @p1 .LBB2_6-.Ltmp2, $4  }
0x76: {  	s30 =	sshrl.u32 s23, $0xA;
	s23 =	smov.u32 s28;
	[sflag:s28] =	ssyncset.done $0x0  }
0x77: {  	p0 =	sgt.u32 s29, $0xF4;
	s28 =	sand.u32 $0x3F, s30;
	[sflag:s23] =	ssyncadd.s32 $0xFFFFEC00  }
0x78: {  	[spmem:s3] =	stream.indirect.scatter.add.f32 [tilespmem:s24], [sflag:$0x6], $0x40, s21, s22, $0xb8;
	[tilespmem:$0x1B040] =	vst v63  }
0x79: {  	s28 =	smul.u32 $0x5, s28;
	s21 =	sadd.s32 $0x50, s21;
	_ =	swait.ge [sflag:s20], $0x1400  }
0x7a: {  	_ = 	snop  }
0x7b: {  	[sflag:s20] =	ssyncset.done $0x0;
	s25 =	ssub.s32 s2, s28  }
0x7c: {  	[sflag:s20] =	ssyncadd.s32 $0xFFFFEC00;
	s28 =	simm.s32 @!p0 $0x50;
	s25 =	sand.u32 $0xFF, s25  }
0x7d: {  	[tilespmem:s24], [sflag:s23] =	stream.indirect.gather @!p0 [hbm4b:s1+s28], $0x40, s26, s28, $0xb8;
	[tilespmem:$0x1B040] =	vst v63  }
0x7e: {  	s29 =	smul.u32 $0x5000, s25;
	s25 =	sadd.s32 $0x1, s25  }
0x7f: {  	_ =	swait.ge [sflag:s25], $0x1400  }
0x80: {  	s29 =	sshrl.u32 s29, $0x2;
	[sflag:s25] =	ssyncset.done $0x0  }
0x81: {  	s23 =	sadd.s32 $0x9C40, s29;
	[sflag:s25] =	ssyncadd.s32 $0xFFFFEC00  }
0x82: {  	[spmem:s3] =	stream.indirect.scatter.add.f32 [tilespmem:s23], [sflag:$0x6], $0x40, s21, s22, $0xb8;
	[tilespmem:$0x1B040] =	vst v63  }
0x83: {  	s0 =	sadd.s32 $0x50, s0;
	_ =	swait.ge [sflag:s20], $0x1400  }
0x84: {  	s30 =	stileid.u32;
	p0 =	sgt.u32 s2, $0xF4;
	[sflag:s20] =	ssyncset.done $0x0  }
0x85: {  	s4 =	sadd.s32 $0x1, s4;
	s2 =	simm.s32 @!p0 $0x50;
	[sflag:s20] =	ssyncadd.s32 $0xFFFFEC00  }
0x86: {  	[tilespmem:s23], [sflag:s25] =	stream.indirect.gather @!p0 [hbm4b:s1+s2], $0x40, s0, s2, $0xb8;
	[tilespmem:$0x1B040] =	vst v63  }
0x87: {  	s31 =	sshrl.u32 s5, $0x3;
	s0 =	sshll.u32 s30, $0x6;
	p0 =	sne.s32 s4, s18  }
.Ltmp3:
0x88: {  	[bflag:$0x0] =	sbarrier.arrive $0xFFFF;
	s0 =	sor.u32 $0x1C06, s0;
	(pc) =	sbr.rel @p0 .LBB2_1-.Ltmp3, $4  }
0x89: {  	[hbm:s17], [sflag:s0] =	dma.local [spmem:s31], $0x1400  }
0x8a: {  	_ =	swait.ge [sflag:s20], $0x1400  }
0x8b: {  	[sflag:s20] =	ssyncset.done $0x0  }
0x8c: {  	[sflag:s20] =	ssyncadd.s32 $0xFFFFEC00  }
0x8d: {  	_ =	sfence.sel $0x180000  }
0x8e: {  	[bflag:$0x0] =	sbarrier.arrive $0xFFFF  }
0x8f: {  	_ =	strace $0x9000004A  }
0x90: {  	s0 =	stileid.u32;
	[bflag:$0x2] =	sbarrier.arrive $0xFFFF  }
0x91: {  	p0 =	sne.s32 s0, $0x0;
	s0 =	rddreg [dreg:$0x3]  }
0x92: {  	s0 =	sadd.s32 @!p0 $0x100000, s0  }
0x93: {  	[sflag:s0] =	ssyncadd.tile.s32 @!p0 $0x1;
	_ =	shalt  }
.Lfunc_end2:
_tile_overlayer_lowered:
.L_overlay_start_2:
0x94: {  	(tag) =	ssettag $0x2  }
0x95: {  	s0 =	rddreg [dreg:$0x0];
	s2 =	stileid.u32  }
0x96: {  	s1 =	rddreg [dreg:$0x1];
	p0 =	sne.s32 s2, $0x0  }
0x97: {  	s3 =	rddreg [dreg:$0x2];
	[bflag:$0x3] =	sbarrier.arrive $0xFFFF;
	s2 =	simm.s32 @!p0 $0x1C06  }
0x98: {  	[timem:s3], [sflag:s2] =	dma.local @!p0 [hbm:s0], s1  }
0x99: {  	s0 =	simm.s32 @!p0 $0x6  }
0x9a: {  	_ =	swait.ge @!p0 [sflag:s0], s1  }
0x9b: {  	s1 =	ssub.s32 @!p0 $0x0, s1;
	[sflag:s0] =	ssyncset.done @!p0 $0x0  }
0x9c: {  	[sflag:s0] =	ssyncadd.s32 @!p0 s1  }
0x9d: {  	[bflag:$0x3] =	sbarrier.arrive $0xFFFF  }
0x9e: {  	_ =	shalt  }

// kernel: kernel.8.cloned.1.call-start
scs
__scs_entry_jumppad:
0x0: {  	(pc) =	sbr.rel $0x88, $3  }
0x1: {  	(tag) =	ssettag $0x0;
	lr =	simm.s32 $0x1  }
0x2: {  	[smem:$0x3F97] =	sst lr;
	_ =	strace $0xD0000000  }
0x3: {  	_ = 	snop  }
0x4: {  	_ = 	snop  }
0x5: {  	_ = 	snop  }
0x6: {  	_ = 	snop  }
0x7: {  	_ = 	snop  }
__scs_overlays_trampoline_lowered:
0x8: {  	[smem:$0x3FA6] =	sst s0  }
0x9: {  	[smem:$0x3FA7] =	sst s1  }
0xa: {  	[smem:$0x3FA8] =	sst s2  }
0xb: {  	[smem:$0x3FA9] =	sst s3  }
0xc: {  	[smem:$0x3FAA] =	sst s4  }
0xd: {  	[smem:$0x3FAB] =	sst s5  }
0xe: {  	[smem:$0x3FAC] =	sst s6  }
0xf: {  	[smem:$0x3FAD] =	sst s7  }
0x10: {  	[smem:$0x3FAE] =	sst s8  }
0x11: {  	[smem:$0x3FAF] =	sst s9;
	s0 =	simm.s32 @!p0 $0x0  }
0x12: {  	s1 =	sld [smem:$0x3F95];
	s0 =	simm.s32 @p0 $0x1  }
0x13: {  	[smem:$0x3FB0] =	sst s0;
	s0 =	simm.s32 @!p1 $0x0  }
0x14: {  	s2 =	sld [smem:$0x3F94];
	s0 =	simm.s32 @p1 $0x1  }
0x15: {  	[smem:$0x3FB1] =	sst s0;
	s0 =	simm.s32 @!p2 $0x0  }
0x16: {  	s3 =	sld [smem:$0x3FDB];
	s0 =	simm.s32 @p2 $0x1  }
0x17: {  	s4 =	simm.s32 $0x1BF5;
	[smem:$0x3FB3] =	sst s0  }
0x18: {  	s0 =	sld [smem:$0x3F96];
	_ =	swait.ge [sflag:s4], $0x0  }
0x19: {  	s7 =	sld [smem:$0x3F97]  }
0x1a: {  	s8 =	sadd.s32 $0xFFFFE003, lr  }
0x1b: {  	s9 =	sadd.s32 $0xFFFFFEF7, lr;
	s5 =	simm.s32 $0xFFFFFFFF;
	p2 =	slt.u32 s8, $0xFFFFF086  }
0x1c: {  	p1 =	slt.u32 s9, $0xF7A;
	s5 =	simm.s32 @!p2 $0x0  }
0x1d: {  	s5 =	simm.s32 @p1 $0x1;
	p0 =	seq.s32 s7, s2  }
0x1e: {  	s7 =	smul.u32 @!p0 $0xF7A, s2;
	p2 =	seq.s32 @!p0 s5, $0x0  }
0x1f: {  	s9 =	smul.u32 $0xF7A, s1;
	s8 =	simm.s32 @!p0 $0x1BF5;
	p2 =	por !p2, p0  }
0x20: {  	[sflag:s8] =	ssyncset.s32 @!p0 $0xFFFFF086;
	s6 =	sadd.s32 @!p0 s3, s7;
	s7 =	simm.s32 @!p0 $0x108  }
0x21: {  	s3 =	sadd.s32 s3, s9;
	s6 =	sadd.s32 @!p0 $0x88, s6;
	s7 =	simm.s32 @p2 $0x1082  }
0x22: {  	[simem:s7], [sflag:s8] =	dma.local @!p0 [hbm:s6], $0xF7A  }
0x23: {  	s9 =	sor.u32 $0xD0000000, s2;
	s6 =	simm.s32 $0x108;
	_ =	swait.ge @!p0 [sflag:s8], $0x0  }
0x24: {  	s3 =	sadd.s32 $0x88, s3;
	s6 =	simm.s32 @!p1 $0x1082;
	[sflag:s4] =	ssyncset.s32 $0xFFFFF086  }
0x25: {  	[simem:s6], [sflag:s4] =	dma.local [hbm:s3], $0xF7A  }
0x26: {  	[smem:$0x3F97] =	sst s1;
	(tag) =	ssettag s2;
	_ =	strace s9  }
0x27: {  	s1 =	sld [smem:$0x3FA7]  }
0x28: {  	s2 =	sld [smem:$0x3FA8]  }
0x29: {  	s4 =	sld [smem:$0x3FAA]  }
0x2a: {  	p0 =	seq.s32 s5, $0x0;
	s5 =	sld [smem:$0x3FAB]  }
0x2b: {  	s6 =	sld [smem:$0x3FAC]  }
0x2c: {  	s7 =	sld [smem:$0x3FAD]  }
0x2d: {  	s3 =	simm.s32 $0x108;
	s8 =	sld [smem:$0x3FAE]  }
0x2e: {  	s3 =	simm.s32 @!p0 $0x1082;
	s9 =	sld [smem:$0x3FAF]  }
0x2f: {  	lr =	sadd.s32 s0, s3;
	s0 =	sld [smem:$0x3FA6]  }
0x30: {  	s3 =	sld [smem:$0x3FA9]  }
0x31: {  	[smem:$0x3FB2] =	sst s10  }
0x32: {  	s10 =	sld [smem:$0x3FB0];
	_ =	sdelay $0x3  }
0x33: {  	p0 =	seq.s32 s10, $0x1;
	s10 =	sld [smem:$0x3FB2];
	_ =	sdelay $0x3  }
0x34: {  	[smem:$0x3FB2] =	sst s10  }
0x35: {  	s10 =	sld [smem:$0x3FB1];
	_ =	sdelay $0x3  }
0x36: {  	p1 =	seq.s32 s10, $0x1;
	s10 =	sld [smem:$0x3FB2];
	_ =	sdelay $0x3  }
0x37: {  	[smem:$0x3FB2] =	sst s10  }
0x38: {  	s10 =	sld [smem:$0x3FB3]  }
0x39: {  	_ = 	snop;
	(pc) =	sbr.ind lr, $3  }
0x3a: {  	_ = 	snop  }
0x3b: {  	_ = 	snop  }
0x3c: {  	p2 =	seq.s32 s10, $0x1;
	s10 =	sld [smem:$0x3FB2]  }
0x3d: {  	_ =	shalt  }
0x3e: {  	_ =	shalt  }
0x3f: {  	_ =	shalt  }
0x40: {  	_ =	shalt  }
0x41: {  	_ =	shalt  }
0x42: {  	_ =	shalt  }
0x43: {  	_ =	shalt  }
0x44: {  	_ =	shalt  }
0x45: {  	_ =	shalt  }
0x46: {  	_ =	shalt  }
0x47: {  	_ =	shalt  }
0x48: {  	_ =	shalt  }
0x49: {  	_ =	shalt  }
0x4a: {  	_ =	shalt  }
0x4b: {  	_ =	shalt  }
0x4c: {  	_ =	shalt  }
0x4d: {  	_ =	shalt  }
0x4e: {  	_ =	shalt  }
0x4f: {  	_ =	shalt  }
0x50: {  	_ =	shalt  }
0x51: {  	_ =	shalt  }
0x52: {  	_ =	shalt  }
0x53: {  	_ =	shalt  }
0x54: {  	_ =	shalt  }
0x55: {  	_ =	shalt  }
0x56: {  	_ =	shalt  }
0x57: {  	_ =	shalt  }
0x58: {  	_ =	shalt  }
0x59: {  	_ =	shalt  }
0x5a: {  	_ =	shalt  }
0x5b: {  	_ =	shalt  }
0x5c: {  	_ =	shalt  }
0x5d: {  	_ =	shalt  }
0x5e: {  	_ =	shalt  }
0x5f: {  	_ =	shalt  }
0x60: {  	_ =	shalt  }
0x61: {  	_ =	shalt  }
0x62: {  	_ =	shalt  }
0x63: {  	_ =	shalt  }
0x64: {  	_ =	shalt  }
0x65: {  	_ =	shalt  }
0x66: {  	_ =	shalt  }
0x67: {  	_ =	shalt  }
0x68: {  	_ =	shalt  }
0x69: {  	_ =	shalt  }
0x6a: {  	_ =	shalt  }
0x6b: {  	_ =	shalt  }
0x6c: {  	_ =	shalt  }
0x6d: {  	_ =	shalt  }
0x6e: {  	_ =	shalt  }
0x6f: {  	_ =	shalt  }
0x70: {  	_ =	shalt  }
0x71: {  	_ =	shalt  }
0x72: {  	_ =	shalt  }
0x73: {  	_ =	shalt  }
0x74: {  	_ =	shalt  }
0x75: {  	_ =	shalt  }
0x76: {  	_ =	shalt  }
0x77: {  	_ =	shalt  }
0x78: {  	_ =	shalt  }
0x79: {  	_ =	shalt  }
0x7a: {  	_ =	shalt  }
0x7b: {  	_ =	shalt  }
0x7c: {  	_ =	shalt  }
0x7d: {  	_ =	shalt  }
0x7e: {  	_ =	shalt  }
0x7f: {  	_ =	shalt  }
0x80: {  	_ =	shalt  }
0x81: {  	_ =	shalt  }
0x82: {  	_ =	shalt  }
0x83: {  	_ =	shalt  }
0x84: {  	_ =	shalt  }
0x85: {  	_ =	shalt  }
0x86: {  	_ =	shalt  }
0x87: {  	_ =	shalt  }
.Lfunc_end0:
.L_simem_size_0:
called_computation_lowered:
.L_overlay_start_0:
0x88: {  	s2 =	sld [smem:$0x3FD9]  }
0x89: {  	s3 =	sld [smem:$0x3FFE];
	_ =	sdelay $0x1  }
0x8a: {  	s1 =	srdreg.scid  }
0x8b: {  	s0 =	sand.u32 $0x1, s1  }
0x8c: {  	s17 =	sshll.u32 s0, $0xA;
	s2 =	sadd.s32 s3, s2  }
0x8d: {  	s2 =	sadd.s32 s2, s17  }
0x8e: {  	[smem:$0x3FBE] =	sst s2  }
0x8f: {  	_ = 	snop  }
0x90: {  	s2 =	sld [smem:$0x3FC9]  }
0x91: {  	s18 =	sld [smem:$0x3FD0];
	(tm) =	ssettm $0x1  }
0x92: {  	s4 =	sld [smem:$0x3FFB];
	_ =	sdelay $0x3  }
0x93: {  	_ =	strace s4  }
0x94: {  	s4 =	sld [smem:$0x3FFC];
	_ =	sdelay $0x3  }
0x95: {  	_ =	strace s4  }
0x96: {  	s4 =	sld [smem:$0x3FFD];
	_ =	sdelay $0x3  }
0x97: {  	_ =	strace s4  }
0x98: {  	_ =	strace $0x8FFFFFFF  }
0x99: {  	s19 =	sld [smem:$0x3FDB];
	_ =	sdelay $0x1  }
0x9a: {  	s5 =	simm.s32 $_scs_section_size  }
0x9b: {  	s6 =	simm.s32 $_size__tile_overlayer_lowered;
	s7 =	simm.s32 $_tile_overlayer_lowered  }
0x9c: {  	s22 =	simm.s32 $0x1BFF;
	s21 =	sshll.u32 s7, $0x1;
	s4 =	sadd.s32 s5, s19  }
0x9d: {  	s8 =	simm.s32 $0x0;
	s20 =	sshll.u32 s6, $0x1;
	s6 =	sadd.s32 s21, s4  }
0x9e: {  	[timem:s8], [sflag:s22] =	dma.local [hbm:s6], s20  }
0x9f: {  	_ =	swait.ge [sflag:s22], s20  }
0xa0: {  	s5 =	ssub.s32 $0x0, s20;
	[sflag:s22] =	ssyncset.done $0x0  }
0xa1: {  	[sflag:s22] =	ssyncadd.s32 s5;
	_ =	sdelay $0x1  }
0xa2: {  	s23 =	simm.s32 $0x1B8B  }
0xa3: {  	_ =	swait.ge [sflag:s23], $0x1  }
0xa4: {  	[sflag:s23] =	ssyncset.done $0x0  }
0xa5: {  	s25 =	simm.s32 $0x1B8E;
	s24 =	sld [smem:$0x3FFE];
	[sflag:s23] =	ssyncadd.s32 $0xFFFFFFFF  }
0xa6: {  	s26 =	simm.s32 $execute0_lowered;
	[smem:$0x3FD2] =	sst s25  }
0xa7: {  	s6 =	sshll.u32 s26, $0x1;
	_ =	strace $0x80000046;
	[dreg:$0x1] =	wrdreg $0xFFFFFFFF  }
0xa8: {  	s28 =	simm.s32 $_size_execute0_lowered;
	s4 =	sadd.s32 s4, s6;
	[dreg:$0x0] =	wrdreg $0x0  }
0xa9: {  	s6 =	sshll.u32 s28, $0x1;
	[dreg:$0x2] =	wrdreg s4  }
0xaa: {  	[dreg:$0x3] =	wrdreg s6  }
0xab: {  	[dreg:$0x4] =	wrdreg $0xC0  }
0xac: {  	_ =	task [dreg:s8], $0x5FFFF  }
0xad: {  	[dreg:$0x1] =	wrdreg $0xFFFFFFFF  }
0xae: {  	[dreg:$0x0] =	wrdreg $0x60  }
0xaf: {  	[dreg:$0x2] =	wrdreg s2  }
0xb0: {  	[dreg:$0x3] =	wrdreg s24  }
0xb1: {  	[dreg:$0x4] =	wrdreg s18  }
0xb2: {  	[dreg:$0x5] =	wrdreg $0x119400  }
0xb3: {  	[dreg:$0x6] =	wrdreg $0x1B9400  }
0xb4: {  	[dreg:$0x7] =	wrdreg $0x9  }
0xb5: {  	_ =	task.clear_ibuf [dreg:s8], $0x8FFFF;
	_ =	strace $0x90000046  }
0xb6: {  	s29 =	simm.s32 $0x9;
	_ =	strace $0x80000048  }
0xb7: {  	_ =	swait.ge [sflag:s29], $0x1  }
0xb8: {  	[sflag:s29] =	ssyncadd.s32 $0xFFFFFFFF  }
0xb9: {  	_ =	strace $0x90000048  }
0xba: {  	_ =	sfence  }
0xbb: {  	s30 =	sld [smem:$0x0];
	_ =	sdelay $0x2  }
0xbc: {  	s31 =	sshll.u32 s1, $0xD;
	s1 =	sshrl.u32 s1, $0x2  }
0xbd: {  	s3 =	sand.u32 $0x4000, s31;
	s1 =	sadd.s32 s1, s30  }
0xbe: {  	s0 =	sor.u32 s3, s0;
	s1 =	sshll.u32 s1, $0x11  }
0xbf: {  	s0 =	sor.u32 s1, s0  }
0xc0: {  	s0 =	sadd.s32 $0x8F2B, s0  }
0xc1: {  	[sflag:s0] =	ssyncadd.remote.s32 $0x1  }
0xc2: {  	_ =	sfence.sel $0xFFFF  }
0xc3: {  	[dreg:$0x0] =	wrdreg $0xFFFFFFFF;
	(pc) =	sbr.abs _section_cstart, $3  }
0xc4: {  	[dreg:$0x1] =	wrdreg $0xFFFFFFFF  }
0xc5: {  	_ =	task.clear_ibuf [dreg:s8], $0x2FFFF;
	_ =	strace $0x9FFFFFFF  }
0xc6: {  	(tm) =	ssettm $0x7FFFFFFF  }
0xc7: {  	_ =	shalt  }
tec
execute0_lowered:
.L_overlay_start_1:
0x0: {  	(tag) =	ssettag $0x1  }
0x1: {  	s1 =	rddreg [dreg:$0x0]  }
0x2: {  	s0 =	rddreg [dreg:$0x1]  }
0x3: {  	s2 =	rddreg [dreg:$0x2];
	s13 =	stileid.u32  }
0x4: {  	s3 =	rddreg [dreg:$0x3];
	s15 =	smul.u32 $0xA000, s13  }
0x5: {  	s4 =	rddreg [dreg:$0x4];
	s8 =	smul.u32 $0x9C4, s13  }
0x6: {  	s6 =	srdreg.scid;
	s11 =	smul.u32 $0x280, s13  }
0x7: {  	s5 =	simm.s32 $0x0;
	s10 =	sand.u32 $0x1, s6;
	s13 =	smul.u32 $0x2800, s13  }
0x8: {  	[smem:$0x7FF] =	sst s5;
	s7 =	smul.u32 $0xA0000, s10;
	s9 =	ssub.s32 $0x2, s10  }
0x9: {  	_ =	strace $0x80000047;
	p0 =	seq.s32 s10, $0x1;
	s12 =	sshrl.u32 s9, $0x1  }
0xa: {  	s8 =	sadd.s32 s8, s0;
	s6 =	sadd.s32 s15, s3;
	s16 =	sor.u32 $0x40, s11  }
0xb: {  	s19 =	sadd.s32 $0xC0, s11;
	s22 =	sadd.s32 $0x100, s11;
	s24 =	sadd.s32 $0x140, s11  }
0xc: {  	s7 =	sadd.s32 s15, s7;
	s9 =	ssub.s32 s9, s12;
	s14 =	sshll.u32 s16, $0x6  }
0xd: {  	s12 =	sshll.u32 s16, $0x4;
	s15 =	sadd.s32 $0x80, s11;
	s20 =	sshll.u32 s19, $0x6  }
0xe: {  	s23 =	sshll.u32 s22, $0x6;
	s16 =	smul.u32 $0x28000, s10;
	s25 =	sshll.u32 s24, $0x6  }
0xf: {  	s28 =	sadd.s32 $0xC600, s8;
	s29 =	sadd.s32 $0x2800, s8;
	s8 =	simm.s32 $0x11540  }
0x10: {  	s7 =	sshrl.u32 s7, $0x3;
	s14 =	sadd.s32 s14, s3;
	s12 =	sadd.s32 s12, s4  }
0x11: {  	s17 =	sshll.u32 s15, $0x6;
	s18 =	sshll.u32 s15, $0x4;
	s26 =	sadd.s32 s25, s3  }
0x12: {  	s15 =	sadd.s32 $0x180, s11;
	s31 =	smax.u32 s9, $0x1;
	s9 =	simm.s32 $0x50  }
0x13: {  	s0 =	sadd.s32 s7, s0;
	s7 =	sadd.s32 s13, s4;
	[dreg:$0x6] =	wrdreg s14  }
0x14: {  	[dreg:$0x7] =	wrdreg s12;
	s12 =	sadd.s32 s17, s3;
	s14 =	sshll.u32 s19, $0x4  }
0x15: {  	[dreg:$0xe] =	wrdreg s26;
	s13 =	sadd.s32 s13, s16;
	s16 =	sshll.u32 s15, $0x6  }
0x16: {  	s17 =	sshll.u32 s15, $0x4;
	[dreg:$0x8] =	wrdreg s12;
	s12 =	sadd.s32 s18, s4  }
0x17: {  	s21 =	sadd.s32 s14, s4;
	s14 =	sadd.s32 s23, s3;
	[dreg:$0x9] =	wrdreg s12  }
0x18: {  	s18 =	sadd.s32 $0x1C0, s11;
	s30 =	sadd.s32 $0x16400, s0;
	[dreg:$0xb] =	wrdreg s21  }
0x19: {  	s12 =	sadd.s32 s20, s3;
	[dreg:$0xc] =	wrdreg s14;
	s14 =	sshll.u32 s24, $0x4  }
0x1a: {  	s20 =	sadd.s32 $0x200, s11;
	[dreg:$0xa] =	wrdreg s12;
	s12 =	sshll.u32 s22, $0x4  }
0x1b: {  	s24 =	sadd.s32 $0x240, s11;
	s22 =	sshll.u32 s20, $0x6;
	s12 =	sadd.s32 s12, s4  }
0x1c: {  	s25 =	sshll.u32 s20, $0x4;
	s23 =	sadd.s32 s22, s3;
	[dreg:$0xd] =	wrdreg s12  }
0x1d: {  	s11 =	sadd.s32 s25, s4;
	s12 =	sshrl.u32 s13, $0x3;
	[dreg:$0x15] =	wrdreg s23  }
0x1e: {  	s0 =	simm.s32 $0x10040;
	[dreg:$0x16] =	wrdreg s11;
	s2 =	sadd.s32 s2, s12  }
0x1f: {  	s19 =	sshll.u32 s18, $0x6;
	[dreg:$0x10] =	wrdreg s2;
	s2 =	sadd.s32 s16, s3  }
0x20: {  	s21 =	sshll.u32 s18, $0x4;
	[dreg:$0x11] =	wrdreg s2;
	s2 =	sadd.s32 s17, s4  }
0x21: {  	s26 =	sshll.u32 s24, $0x6;
	[dreg:$0x12] =	wrdreg s2;
	s2 =	sadd.s32 s19, s3  }
0x22: {  	s25 =	sadd.s32 s26, s3;
	[dreg:$0x13] =	wrdreg s2;
	s2 =	sadd.s32 s21, s4  }
0x23: {  	s13 =	sadd.s32 s14, s4;
	[dreg:$0x14] =	wrdreg s2;
	s2 =	sshll.u32 s24, $0x4  }
0x24: {  	v1 =	vimm.f32 $0.0e+00;
	v2 =	vimm.f32 $1.000000000e+00;
	v0 =	vmov s10;
	[dreg:$0xf] =	wrdreg s13;
	s26 =	sadd.s32 s2, s4;
	s2 =	simm.s32 $0x6  }
.LBB2_1:
0x25: {  	s10 =	simm.s32 $0x10060;
	s11 =	simm.s32 $0x0  }
.LBB2_2:
0x26: {  	p1 =	sne.s32 s11, $0xFC0  }
.Ltmp0:
0x27: {  	[tilespmem:s10+$0xFFFFFFE0] =	vst v1;
	(pc) =	sbr.rel @p1 .LBB2_2-.Ltmp0, $4  }
0x28: {  	[tilespmem:s10+$0xFFFFFFF0] =	vst v1  }
0x29: {  	[tilespmem:s10+$0x0] =	vst v1  }
0x2a: {  	[tilespmem:s10+$0x10] =	vst v1;
	s12 =	sshra.s32 s11, $0x2  }
0x2b: {  	s10 =	sadd.s32 $0x40, s10;
	s11 =	sadd.s32 $0x40, s11;
	[tilespmem:s12+$0x11540] =	vst v1  }
0x2c: {  	s10 =	simm.s32 $0x40;
	s11 =	simm.s32 $0x0  }
.LBB2_4:
0x2d: {  	p1 =	sne.s32 s10, $0x13C0;
	[tilespmem:s11+$0x11040] =	vst v2;
	s11 =	smov.u32 s10;
	s10 =	sadd.s32 $0x40, s10  }
.Ltmp1:
0x2e: {  	(pc) =	sbr.rel @p1 .LBB2_4-.Ltmp1, $2  }
0x2f: {  	_ =	sdelay $0x2  }
0x30: {  	s11 =	sshra.s32 s11, $0x2  }
0x31: {  	[tilespmem:s11+$0x11040] =	vst v2  }
0x32: {  	[spmem:s6] =	stream.linear.scatter [tilespmem:s0], [sflag:$0x6], $0x1000, $0x38;
	[tilespmem:$0x1E140] =	vst v63  }
0x33: {  	_ =	swait.ge [sflag:s2], $0x1000  }
0x34: {  	[sflag:s2] =	ssyncset.done $0x0  }
0x35: {  	[sflag:s2] =	ssyncadd.s32 $0xFFFFF000  }
0x36: {  	[spmem:s7] =	stream.linear.scatter [tilespmem:s8], [sflag:$0x6], $0x400, $0x38;
	[tilespmem:$0x1E140] =	vst v63  }
0x37: {  	_ =	swait.ge [sflag:s2], $0x400  }
0x38: {  	[sflag:s2] =	ssyncset.done $0x0  }
0x39: {  	s10 =	rddreg [dreg:$0x6];
	[sflag:s2] =	ssyncadd.s32 $0xFFFFFC00  }
0x3a: {  	[spmem:s10] =	stream.linear.scatter [tilespmem:s0], [sflag:$0x6], $0x1000, $0x38;
	[tilespmem:$0x1E140] =	vst v63  }
0x3b: {  	_ =	swait.ge [sflag:s2], $0x1000  }
0x3c: {  	[sflag:s2] =	ssyncset.done $0x0  }
0x3d: {  	s20 =	rddreg [dreg:$0x7];
	[sflag:s2] =	ssyncadd.s32 $0xFFFFF000  }
0x3e: {  	[spmem:s20] =	stream.linear.scatter [tilespmem:s8], [sflag:$0x6], $0x400, $0x38;
	[tilespmem:$0x1E140] =	vst v63  }
0x3f: {  	_ =	swait.ge [sflag:s2], $0x400  }
0x40: {  	[sflag:s2] =	ssyncset.done $0x0  }
0x41: {  	s21 =	rddreg [dreg:$0x8];
	[sflag:s2] =	ssyncadd.s32 $0xFFFFFC00  }
0x42: {  	[spmem:s21] =	stream.linear.scatter [tilespmem:s0], [sflag:$0x6], $0x1000, $0x38;
	[tilespmem:$0x1E140] =	vst v63  }
0x43: {  	_ =	swait.ge [sflag:s2], $0x1000  }
0x44: {  	[sflag:s2] =	ssyncset.done $0x0  }
0x45: {  	s22 =	rddreg [dreg:$0x9];
	[sflag:s2] =	ssyncadd.s32 $0xFFFFF000  }
0x46: {  	[spmem:s22] =	stream.linear.scatter [tilespmem:s8], [sflag:$0x6], $0x400, $0x38;
	[tilespmem:$0x1E140] =	vst v63  }
0x47: {  	_ =	swait.ge [sflag:s2], $0x400  }
0x48: {  	[sflag:s2] =	ssyncset.done $0x0  }
0x49: {  	s23 =	rddreg [dreg:$0xa];
	[sflag:s2] =	ssyncadd.s32 $0xFFFFFC00  }
0x4a: {  	[spmem:s23] =	stream.linear.scatter [tilespmem:s0], [sflag:$0x6], $0x1000, $0x38;
	[tilespmem:$0x1E140] =	vst v63  }
0x4b: {  	_ =	swait.ge [sflag:s2], $0x1000  }
0x4c: {  	[sflag:s2] =	ssyncset.done $0x0  }
0x4d: {  	s24 =	rddreg [dreg:$0xb];
	[sflag:s2] =	ssyncadd.s32 $0xFFFFF000  }
0x4e: {  	[spmem:s24] =	stream.linear.scatter [tilespmem:s8], [sflag:$0x6], $0x400, $0x38;
	[tilespmem:$0x1E140] =	vst v63  }
0x4f: {  	_ =	swait.ge [sflag:s2], $0x400  }
0x50: {  	[sflag:s2] =	ssyncset.done $0x0  }
0x51: {  	s11 =	rddreg [dreg:$0xc];
	[sflag:s2] =	ssyncadd.s32 $0xFFFFFC00  }
0x52: {  	[spmem:s11] =	stream.linear.scatter [tilespmem:s0], [sflag:$0x6], $0x1000, $0x38;
	[tilespmem:$0x1E140] =	vst v63  }
0x53: {  	_ =	swait.ge [sflag:s2], $0x1000  }
0x54: {  	[sflag:s2] =	ssyncset.done $0x0  }
0x55: {  	s12 =	rddreg [dreg:$0xd];
	[sflag:s2] =	ssyncadd.s32 $0xFFFFF000  }
0x56: {  	[spmem:s12] =	stream.linear.scatter [tilespmem:s8], [sflag:$0x6], $0x400, $0x38;
	[tilespmem:$0x1E140] =	vst v63  }
0x57: {  	_ =	swait.ge [sflag:s2], $0x400  }
0x58: {  	[sflag:s2] =	ssyncset.done $0x0  }
0x59: {  	s13 =	rddreg [dreg:$0xe];
	[sflag:s2] =	ssyncadd.s32 $0xFFFFFC00  }
0x5a: {  	[spmem:s13] =	stream.linear.scatter [tilespmem:s0], [sflag:$0x6], $0x1000, $0x38;
	[tilespmem:$0x1E140] =	vst v63  }
0x5b: {  	_ =	swait.ge [sflag:s2], $0x1000  }
0x5c: {  	[sflag:s2] =	ssyncset.done $0x0  }
0x5d: {  	s14 =	rddreg [dreg:$0xf];
	[sflag:s2] =	ssyncadd.s32 $0xFFFFF000  }
0x5e: {  	[spmem:s14] =	stream.linear.scatter [tilespmem:s8], [sflag:$0x6], $0x400, $0x38;
	[tilespmem:$0x1E140] =	vst v63  }
0x5f: {  	_ =	swait.ge [sflag:s2], $0x400  }
0x60: {  	[sflag:s2] =	ssyncset.done $0x0  }
0x61: {  	s15 =	rddreg [dreg:$0x11];
	[sflag:s2] =	ssyncadd.s32 $0xFFFFFC00  }
0x62: {  	[spmem:s15] =	stream.linear.scatter [tilespmem:s0], [sflag:$0x6], $0x1000, $0x38;
	[tilespmem:$0x1E140] =	vst v63  }
0x63: {  	_ =	swait.ge [sflag:s2], $0x1000  }
0x64: {  	[sflag:s2] =	ssyncset.done $0x0  }
0x65: {  	s16 =	rddreg [dreg:$0x12];
	[sflag:s2] =	ssyncadd.s32 $0xFFFFF000  }
0x66: {  	[spmem:s16] =	stream.linear.scatter [tilespmem:s8], [sflag:$0x6], $0x400, $0x38;
	[tilespmem:$0x1E140] =	vst v63  }
0x67: {  	_ =	swait.ge [sflag:s2], $0x400  }
0x68: {  	[sflag:s2] =	ssyncset.done $0x0  }
0x69: {  	s17 =	rddreg [dreg:$0x13];
	[sflag:s2] =	ssyncadd.s32 $0xFFFFFC00  }
0x6a: {  	[spmem:s17] =	stream.linear.scatter [tilespmem:s0], [sflag:$0x6], $0x1000, $0x38;
	[tilespmem:$0x1E140] =	vst v63  }
0x6b: {  	_ =	swait.ge [sflag:s2], $0x1000  }
0x6c: {  	[sflag:s2] =	ssyncset.done $0x0  }
0x6d: {  	s18 =	rddreg [dreg:$0x14];
	[sflag:s2] =	ssyncadd.s32 $0xFFFFF000  }
0x6e: {  	[spmem:s18] =	stream.linear.scatter [tilespmem:s8], [sflag:$0x6], $0x400, $0x38;
	[tilespmem:$0x1E140] =	vst v63  }
0x6f: {  	_ =	swait.ge [sflag:s2], $0x400  }
0x70: {  	[sflag:s2] =	ssyncset.done $0x0  }
0x71: {  	s19 =	rddreg [dreg:$0x15];
	[sflag:s2] =	ssyncadd.s32 $0xFFFFFC00  }
0x72: {  	[spmem:s19] =	stream.linear.scatter [tilespmem:s0], [sflag:$0x6], $0x1000, $0x38;
	[tilespmem:$0x1E140] =	vst v63  }
0x73: {  	_ =	swait.ge [sflag:s2], $0x1000  }
0x74: {  	[sflag:s2] =	ssyncset.done $0x0  }
0x75: {  	s20 =	rddreg [dreg:$0x16];
	[sflag:s2] =	ssyncadd.s32 $0xFFFFF000  }
0x76: {  	[spmem:s20] =	stream.linear.scatter [tilespmem:s8], [sflag:$0x6], $0x400, $0x38;
	[tilespmem:$0x1E140] =	vst v63  }
0x77: {  	_ =	swait.ge [sflag:s2], $0x400  }
0x78: {  	[sflag:s2] =	ssyncset.done $0x0  }
0x79: {  	[sflag:s2] =	ssyncadd.s32 $0xFFFFFC00  }
0x7a: {  	[spmem:s25] =	stream.linear.scatter [tilespmem:s0], [sflag:$0x6], $0x1000, $0x38;
	[tilespmem:$0x1E140] =	vst v63  }
0x7b: {  	_ =	swait.ge [sflag:s2], $0x1000  }
0x7c: {  	[sflag:s2] =	ssyncset.done $0x0  }
0x7d: {  	s21 =	simm.s32 $0x0;
	[sflag:s2] =	ssyncadd.s32 $0xFFFFF000  }
0x7e: {  	[spmem:s26] =	stream.linear.scatter [tilespmem:s8], [sflag:$0x6], $0x400, $0x38;
	[tilespmem:$0x1E140] =	vst v63  }
0x7f: {  	s22 =	smul.u32 $0xCCCD, s21;
	_ =	swait.ge [sflag:s2], $0x400  }
0x80: {  	[sflag:s2] =	ssyncset.done $0x0  }
0x81: {  	s23 =	sshrl.u32 s22, $0x12;
	[sflag:s2] =	ssyncadd.s32 $0xFFFFFC00  }
0x82: {  	s10 =	smul.u32 $0x140, s23;
	[bflag:$0x0] =	sbarrier.arrive $0xFFFF  }
0x83: {  	[tilespmem:s21], [sflag:$0x6] =	stream.linear.gather [hbm4b:s28+s21], $0x4E20, $0x38;
	[tilespmem:$0x1E140] =	vst v63  }
0x84: {  	s11 =	smul.u32 $0x5, s23;
	_ =	swait.ge [sflag:s2], $0x4E20  }
0x85: {  	s10 =	sshrl.u32 s10, $0x2;
	[sflag:s2] =	ssyncset.done $0x0  }
0x86: {  	s11 =	ssub.s32 $0x0, s11;
	s12 =	simm.s32 $0x4E20;
	[sflag:s2] =	ssyncadd.s32 $0xFFFFB1E0  }
0x87: {  	[tilespmem:s12], [sflag:$0x6] =	stream.linear.gather [hbm4b:s29+s21], $0x4E20, $0x38;
	[tilespmem:$0x1E140] =	vst v63  }
0x88: {  	s24 =	sand.u32 $0xFFFF, s11;
	s11 =	simm.s32 $0x1;
	_ =	swait.ge [sflag:s2], $0x4E20  }
0x89: {  	s13 =	smul.u32 $0xCCCD, s11;
	s12 =	sshll.u32 s24, $0x4;
	[sflag:s2] =	ssyncset.done $0x0  }
0x8a: {  	s10 =	sadd.s32 s12, s10;
	s12 =	simm.s32 $0x2;
	[sflag:s2] =	ssyncadd.s32 $0xFFFFB1E0  }
.LBB2_6:
0x8b: {  	p1 =	sne.s32 s12, $0x4E1;
	v3 =	vld [tilespmem:s10+$0x0]  }
0x8c: {  	s13 =	sshrl.u32 s13, $0x12  }
0x8d: {  	s14 =	smul.u32 $0x5, s13  }
.Ltmp2:
0x8e: {  	(pc) =	sbr.rel @p1 .LBB2_6-.Ltmp2, $4  }
0x8f: {  	s13 =	smul.u32 $0x140, s13;
	s14 =	ssub.s32 s11, s14;
	s11 =	smov.u32 s12  }
0x90: {  	s14 =	sand.u32 $0xFFFF, s14;
	v3 =	vshll.u32 v3, $0x1  }
0x91: {  	s15 =	sshrl.u32 s13, $0x2;
	s14 =	sshll.u32 s14, $0x4;
	v3 =	vor.u32 v0, v3  }
0x92: {  	s12 =	sadd.s32 $0x1, s12;
	s13 =	smul.u32 $0xCCCD, s11;
	[tilespmem:s10+$0x0] =	vst v3;
	s10 =	sadd.s32 s14, s15  }
0x93: {  	v3 =	vld [tilespmem:s10+$0x0]  }
0x94: {  	s12 =	sshrl.u32 s13, $0x12  }
0x95: {  	s13 =	smul.u32 $0x5, s12;
	_ =	sdelay $0x1  }
0x96: {  	s12 =	smul.u32 $0x140, s12;
	s11 =	ssub.s32 s11, s13  }
0x97: {  	s11 =	sand.u32 $0xFFFF, s11;
	v3 =	vshll.u32 v3, $0x1  }
0x98: {  	s12 =	sshrl.u32 s12, $0x2;
	s11 =	sshll.u32 s11, $0x4;
	v3 =	vor.u32 v0, v3  }
0x99: {  	s11 =	sadd.s32 s11, s12;
	[tilespmem:s10+$0x0] =	vst v3  }
0x9a: {  	s14 =	simm.s32 $0x0;
	v3 =	vld [tilespmem:s11+$0x0]  }
0x9b: {  	s10 =	smul.u32 $0xCD, s14;
	_ =	sdelay $0x1  }
0x9c: {  	s15 =	simm.s32 $0x9C40;
	s10 =	sshrl.u32 s10, $0xA  }
0x9d: {  	s16 =	simm.s32 $0xB040;
	s17 =	simm.s32 $0xA0;
	s10 =	sand.u32 $0x3F, s10  }
0x9e: {  	s18 =	simm.s32 $0xC440;
	s19 =	simm.s32 $0xF0;
	s10 =	smul.u32 $0x5, s10;
	v3 =	vshll.u32 v3, $0x1  }
0x9f: {  	s20 =	simm.s32 $0xD840;
	s21 =	simm.s32 $0x140;
	s22 =	simm.s32 $0xEC40;
	v3 =	vor.u32 v0, v3  }
0xa0: {  	p1 =	por $0x1, $0x1;
	s12 =	simm.s32 $0x1;
	s10 =	ssub.s32 $0x0, s10;
	[tilespmem:s11+$0x0] =	vst v3  }
0xa1: {  	[tilespmem:s15], [sflag:$0x1] =	stream.indirect.gather [hbm4b:s1+s9], $0x40, s14, s9, $0xb8;
	[tilespmem:$0x1E140] =	vst v63  }
0xa2: {  	p3 =	por $0x0, $0x0;
	s12 =	simm.s32 @!p1 $0x0;
	s10 =	sand.u32 $0xFF, s10  }
0xa3: {  	[tilespmem:s16], [sflag:$0x2] =	stream.indirect.gather [hbm4b:s1+s9], $0x40, s9, s9, $0xb8;
	[tilespmem:$0x1E140] =	vst v63  }
0xa4: {  	s23 =	smul.u32 $0x5000, s10;
	s13 =	sadd.s32 $0x1, s10;
	s10 =	simm.s32 $0x1  }
0xa5: {  	[tilespmem:s18], [sflag:$0x3] =	stream.indirect.gather [hbm4b:s1+s9], $0x40, s17, s9, $0xb8;
	[tilespmem:$0x1E140] =	vst v63  }
0xa6: {  	s15 =	simm.s32 $0x4E20;
	s24 =	smul.u32 $0xCD, s10;
	s11 =	sshrl.u32 s23, $0x2  }
0xa7: {  	[tilespmem:s20], [sflag:$0x4] =	stream.indirect.gather [hbm4b:s1+s9], $0x40, s19, s9, $0xb8;
	[tilespmem:$0x1E140] =	vst v63  }
0xa8: {  	s14 =	simm.s32 $0x4E70;
	s16 =	sadd.s32 $0x9C40, s11;
	s11 =	simm.s32 $0x1  }
0xa9: {  	[tilespmem:s22], [sflag:$0x5] =	stream.indirect.gather [hbm4b:s1+s9], $0x40, s21, s9, $0xb8;
	[tilespmem:$0x1E140] =	vst v63  }
0xaa: {  	s11 =	simm.s32 @!p0 $0x0;
	s18 =	simm.s32 $0x190;
	_ =	swait.ge [sflag:s13], $0x1400  }
0xab: {  	s17 =	simm.s32 $0x2;
	p1 =	seq.s32 s12, s11;
	[sflag:s13] =	ssyncset.done $0x0  }
0xac: {  	s12 =	simm.s32 $0x1E0;
	s20 =	simm.s32 @!p1 $0x50;
	[sflag:s13] =	ssyncadd.s32 $0xFFFFEC00  }
0xad: {  	[spmem:s3] =	stream.indirect.scatter.add.f32 [tilespmem:s16], [sflag:$0x6], $0x40, s15, s9, $0xb8;
	[tilespmem:$0x1E140] =	vst v63  }
0xae: {  	s19 =	simm.s32 @!p1 $0x6;
	s21 =	sshrl.u32 s24, $0xA;
	_ =	swait.ge [sflag:s2], $0x1400  }
0xaf: {  	s22 =	simm.s32 @!p1 $0x11040;
	s21 =	sand.u32 $0x3F, s21;
	[sflag:s2] =	ssyncset.done $0x0  }
0xb0: {  	s23 =	smul.u32 $0x5, s21;
	s21 =	simm.s32 @!p3 $0x50;
	[sflag:s2] =	ssyncadd.s32 $0xFFFFEC00  }
.LBB2_8:
0xb1: {  	[spmem:s4] =	stream.indirect.scatter.add.f32 @!p1 [tilespmem:s22], [sflag:$0x6], $0x10, s15, s20, $0xb8;
	[tilespmem:$0x1E140] =	vst v63  }
0xb2: {  	s24 =	smov.u32 s10  }
0xb3: {  	s10 =	smov.u32 s17;
	s15 =	smov.u32 s14;
	s20 =	ssub.s32 s24, s23  }
0xb4: {  	s17 =	sadd.s32 $0x1, s17;
	_ =	swait.ge @!p1 [sflag:s19], $0x500;
	s20 =	sand.u32 $0xFF, s20  }
0xb5: {  	p2 =	sne.s32 s17, $0xFA;
	[sflag:s19] =	ssyncset.done @!p1 $0x0;
	s22 =	smul.u32 $0x5000, s20  }
0xb6: {  	s20 =	sadd.s32 $0x1, s20;
	[sflag:s19] =	ssyncadd.s32 @!p1 $0xFFFFFB00;
	p1 =	slt.u32 s24, $0x7D  }
0xb7: {  	[tilespmem:s16], [sflag:s13] =	stream.indirect.gather @!p3 [hbm4b:s1+s21], $0x40, s18, s21, $0xb8;
	[tilespmem:$0x1E140] =	vst v63  }
0xb8: {  	s13 =	smov.u32 s20;
	s16 =	sshrl.u32 s22, $0x2;
	_ =	swait.ge [sflag:s20], $0x1400  }
0xb9: {  	s18 =	simm.s32 $0x1;
	s16 =	sadd.s32 $0x9C40, s16;
	[sflag:s13] =	ssyncset.done $0x0  }
0xba: {  	s21 =	smul.u32 $0xCD, s10;
	s18 =	simm.s32 @!p1 $0x0;
	[sflag:s13] =	ssyncadd.s32 $0xFFFFEC00  }
0xbb: {  	[spmem:s3] =	stream.indirect.scatter.add.f32 [tilespmem:s16], [sflag:$0x6], $0x40, s14, s9, $0xb8;
	[tilespmem:$0x1E140] =	vst v63  }
0xbc: {  	p1 =	seq.s32 s18, s11;
	s18 =	smov.u32 s12;
	_ =	swait.ge [sflag:s2], $0x1400  }
.Ltmp3:
0xbd: {  	s20 =	simm.s32 @!p1 $0x50;
	(pc) =	sbr.rel @p2 .LBB2_8-.Ltmp3, $4  }
0xbe: {  	s22 =	simm.s32 @!p1 $0x11040;
	s19 =	simm.s32 @!p1 $0x6  }
0xbf: {  	s21 =	sshrl.u32 s21, $0xA;
	s12 =	sadd.s32 $0x50, s12;
	s14 =	sadd.s32 $0x50, s14  }
0xc0: {  	p3 =	sgt.u32 s24, $0xF4;
	s21 =	sand.u32 $0x3F, s21;
	[sflag:s2] =	ssyncset.done $0x0  }
0xc1: {  	s23 =	smul.u32 $0x5, s21;
	s21 =	simm.s32 @!p3 $0x50;
	[sflag:s2] =	ssyncadd.s32 $0xFFFFEC00  }
0xc2: {  	[spmem:s4] =	stream.indirect.scatter.add.f32 @!p1 [tilespmem:s22], [sflag:$0x6], $0x10, s15, s20, $0xb8;
	[tilespmem:$0x1E140] =	vst v63  }
0xc3: {  	s17 =	ssub.s32 s10, s23;
	_ =	swait.ge @!p1 [sflag:s19], $0x500  }
0xc4: {  	s15 =	sand.u32 $0xFF, s17;
	[sflag:s19] =	ssyncset.done @!p1 $0x0  }
0xc5: {  	s17 =	smul.u32 $0x5000, s15;
	s15 =	sadd.s32 $0x1, s15;
	[sflag:s19] =	ssyncadd.s32 @!p1 $0xFFFFFB00  }
0xc6: {  	[tilespmem:s16], [sflag:s13] =	stream.indirect.gather @!p3 [hbm4b:s1+s21], $0x40, s18, s21, $0xb8;
	[tilespmem:$0x1E140] =	vst v63  }
0xc7: {  	p1 =	slt.u32 s10, $0x7D;
	_ =	swait.ge [sflag:s15], $0x1400  }
0xc8: {  	s16 =	simm.s32 $0x1;
	s20 =	sshrl.u32 s17, $0x2;
	[sflag:s15] =	ssyncset.done $0x0  }
0xc9: {  	s16 =	simm.s32 @!p1 $0x0;
	s13 =	sadd.s32 $0x9C40, s20;
	[sflag:s15] =	ssyncadd.s32 $0xFFFFEC00  }
0xca: {  	[spmem:s3] =	stream.indirect.scatter.add.f32 [tilespmem:s13], [sflag:$0x6], $0x40, s14, s9, $0xb8;
	[tilespmem:$0x1E140] =	vst v63  }
0xcb: {  	p1 =	seq.s32 s16, s11;
	_ =	swait.ge [sflag:s2], $0x1400  }
0xcc: {  	s11 =	simm.s32 @!p1 $0x50;
	[sflag:s2] =	ssyncset.done $0x0  }
0xcd: {  	s16 =	simm.s32 @!p1 $0x11040;
	s17 =	simm.s32 @!p1 $0x6;
	[sflag:s2] =	ssyncadd.s32 $0xFFFFEC00  }
0xce: {  	[spmem:s4] =	stream.indirect.scatter.add.f32 @!p1 [tilespmem:s16], [sflag:$0x6], $0x10, s14, s11, $0xb8;
	[tilespmem:$0x1E140] =	vst v63  }
0xcf: {  	_ =	swait.ge @!p1 [sflag:s17], $0x500  }
0xd0: {  	p2 =	sgt.u32 s10, $0xF4;
	[sflag:s17] =	ssyncset.done @!p1 $0x0  }
0xd1: {  	s10 =	simm.s32 @!p2 $0x50;
	s21 =	stileid.u32;
	[sflag:s17] =	ssyncadd.s32 @!p1 $0xFFFFFB00  }
0xd2: {  	[tilespmem:s13], [sflag:s15] =	stream.indirect.gather @!p2 [hbm4b:s1+s10], $0x40, s12, s10, $0xb8;
	[tilespmem:$0x1E140] =	vst v63  }
0xd3: {  	s10 =	sshll.u32 s21, $0x6  }
0xd4: {  	s22 =	sshrl.u32 s6, $0x3;
	[bflag:$0x0] =	sbarrier.arrive $0xFFFF;
	s10 =	sor.u32 $0x1C06, s10  }
0xd5: {  	[hbm:s30], [sflag:s10] =	dma.local [spmem:s22], $0x1400  }
0xd6: {  	s5 =	sadd.s32 $0x1, s5;
	_ =	swait.ge [sflag:s2], $0x1400  }
0xd7: {  	s23 =	sshrl.u32 s7, $0x3;
	p1 =	sne.s32 s5, s31;
	[sflag:s2] =	ssyncset.done $0x0  }
.Ltmp4:
0xd8: {  	s24 =	rddreg [dreg:$0x10];
	[sflag:s2] =	ssyncadd.s32 $0xFFFFEC00;
	(pc) =	sbr.rel @p1 .LBB2_1-.Ltmp4, $4  }
0xd9: {  	[hbm:s24], [sflag:s10] =	dma.local [spmem:s23], $0x500  }
0xda: {  	_ =	swait.ge [sflag:s2], $0x500  }
0xdb: {  	[sflag:s2] =	ssyncset.done $0x0  }
0xdc: {  	[sflag:s2] =	ssyncadd.s32 $0xFFFFFB00  }
0xdd: {  	_ =	sfence.sel $0x180000  }
0xde: {  	[bflag:$0x0] =	sbarrier.arrive $0xFFFF  }
0xdf: {  	_ =	strace $0x90000047  }
0xe0: {  	s0 =	stileid.u32;
	[bflag:$0x2] =	sbarrier.arrive $0xFFFF  }
0xe1: {  	p0 =	sne.s32 s0, $0x0;
	s0 =	rddreg [dreg:$0x5]  }
0xe2: {  	s0 =	sadd.s32 @!p0 $0x100000, s0  }
0xe3: {  	[sflag:s0] =	ssyncadd.tile.s32 @!p0 $0x1;
	_ =	shalt  }
.Lfunc_end2:
_tile_overlayer_lowered:
.L_overlay_start_2:
0xe4: {  	(tag) =	ssettag $0x2  }
0xe5: {  	s0 =	rddreg [dreg:$0x0];
	s2 =	stileid.u32  }
0xe6: {  	s1 =	rddreg [dreg:$0x1];
	p0 =	sne.s32 s2, $0x0  }
0xe7: {  	s3 =	rddreg [dreg:$0x2];
	[bflag:$0x3] =	sbarrier.arrive $0xFFFF;
	s2 =	simm.s32 @!p0 $0x1C06  }
0xe8: {  	[timem:s3], [sflag:s2] =	dma.local @!p0 [hbm:s0], s1  }
0xe9: {  	s0 =	simm.s32 @!p0 $0x6  }
0xea: {  	_ =	swait.ge @!p0 [sflag:s0], s1  }
0xeb: {  	s1 =	ssub.s32 @!p0 $0x0, s1;
	[sflag:s0] =	ssyncset.done @!p0 $0x0  }
0xec: {  	[sflag:s0] =	ssyncadd.s32 @!p0 s1  }
0xed: {  	[bflag:$0x3] =	sbarrier.arrive $0xFFFF  }
0xee: {  	_ =	shalt  }

</sc_bundles>
